<compile_context>
chip_gen: v7x
topology: tpu7x:2x2x1
jax: 0.10.2.dev20260603
libtpu: 0.0.44.dev20260713+nightly
codegen_flags: <defaults>
</compile_context>

<pallas_src>
import functools

import jax
import jax.numpy as jnp
from jax import lax
from jax.experimental import pallas as pl
from jax.experimental.pallas import tpu as pltpu
from jax.experimental.pallas import tpu_sc as plsc

_CHUNK = 40
_NBUF = 6


def kernel(x, upsamples):
    n_out = upsamples.shape[0]
    d = x.shape[1]
    info = plsc.get_sparse_core_info()
    nw = info.num_cores * info.num_subcores
    assert n_out % _CHUNK == 0 and _CHUNK % 8 == 0
    n_chunks = n_out // _CHUNK
    per_w = n_chunks // nw
    extra = n_chunks - per_w * nw
    assert per_w >= _NBUF
    kmax = per_w + (1 if extra else 0)
    pre = kmax * _CHUNK
    pad_to = ((nw - 1) * per_w + min(nw - 1, extra) + kmax) * _CHUNK
    pad_to = max(pad_to, n_out)

    inds = upsamples[:, 0].astype(jnp.int32)
    inds = jnp.pad(inds, (0, pad_to - n_out))
    mesh = plsc.VectorSubcoreMesh(core_axis_name="c", subcore_axis_name="s")

    @functools.partial(
        pl.kernel,
        out_type=jax.ShapeDtypeStruct((n_out, d), jnp.float32),
        mesh=mesh,
        scratch_types=(
            [pltpu.VMEM((pre,), jnp.int32)]
            + [pltpu.VMEM((_CHUNK, d), jnp.float32)] * _NBUF
            + [pltpu.SemaphoreType.DMA] * (2 * _NBUF)
        ),
    )
    def gather_kernel(x_hbm, inds_hbm, out_hbm, idx_all, *bufs_sems):
        rows = bufs_sems[:_NBUF]
        gs = bufs_sems[_NBUF:2 * _NBUF]
        ws = bufs_sems[2 * _NBUF:]
        wid = lax.axis_index("s") * info.num_cores + lax.axis_index("c")
        base = wid * per_w + jnp.minimum(wid, extra)
        n_my = jnp.where(wid < extra, per_w + 1, per_w)

        pltpu.sync_copy(
            inds_hbm.at[pl.ds(pl.multiple_of(base * _CHUNK, 8), pre)],
            idx_all,
        )

        def start_gather(k, b):
            idx_ref = idx_all.at[pl.ds(pl.multiple_of(k * _CHUNK, 8), _CHUNK)]
            pltpu.async_copy(x_hbm.at[idx_ref], rows[b], gs[b])

        def start_wb(k, b):
            off = pl.multiple_of((base + k) * _CHUNK, 8)
            pltpu.async_copy(rows[b], out_hbm.at[pl.ds(off, _CHUNK)], ws[b])

        def drain_g(b):
            pltpu.make_async_copy(
                x_hbm.at[pl.ds(0, _CHUNK)], rows[b], gs[b]).wait()

        def drain_w(b):
            pltpu.make_async_copy(
                rows[b], out_hbm.at[pl.ds(0, _CHUNK)], ws[b]).wait()

        start_gather(0, 0)

        def group(pk, carry):
            for j in range(1, _NBUF + 1):
                k = _NBUF * pk + j
                b = j % _NBUF

                @pl.when((k >= _NBUF) & (k < n_my))
                def _():
                    drain_w(b)

                @pl.when(k < n_my)
                def _():
                    start_gather(k, b)

                pb = (j - 1) % _NBUF

                @pl.when(k - 1 < n_my)
                def _():
                    drain_g(pb)
                    start_wb(k - 1, pb)

            return carry

        lax.fori_loop(0, (kmax + _NBUF) // _NBUF, group, 0)
        for b in range(_NBUF):
            drain_w(b)

    return gather_kernel(x, inds)

# --- scband reference (transcript-rebuilt; emitter-appended) ---
"""Pipeline reference for scband-nearest-upsample-block-15942918603360 (READ-ONLY COPY).

The authoritative reference and input builder live on the scoring server;
editing this copy changes nothing except your own understanding.
"""

import jax, jax.numpy as jnp
import numpy as np


def setup_inputs(seed: int = 0) -> dict:
    key = jax.random.key(seed)
    k1, k2 = jax.random.split(key)
    x = jax.random.normal(k1, (50000, 512), dtype=jnp.float32)
    upsamples = jax.random.randint(k2, (100000, 16), 0, 50000, dtype=jnp.int64 if jax.config.read('jax_enable_x64') else jnp.int32)
    return {"x": x, "upsamples": upsamples}


def reference(x, upsamples):
    # closest_pool: append a zero shadow row, then gather the first (closest) neighbor
    x_pad = jnp.concatenate([x, jnp.zeros_like(x[:1, :])], axis=0)
    inds = upsamples[:, 0]
    return jnp.take(x_pad, inds, axis=0)

if __name__ == "__main__":
    import jax
    _d = setup_inputs()
    print(jax.jit(kernel)(*tuple(_d.values())))

</pallas_src>

<mosaic_0001>
#map = affine_map<(d0, d1) -> (0, 0)>
#map1 = affine_map<(d0, d1) -> (0)>
module attributes {stable_mosaic.version = 14 : i64} {
  func.func @gather_kernel(%arg0: i32, %arg1: i32, %arg2: memref<50000x512xf32, #tpu.memory_space<hbm>>, %arg3: memref<100040xi32, #tpu.memory_space<hbm>>, %arg4: memref<100000x512xf32, #tpu.memory_space<hbm>>, %arg5: memref<3160xi32, #tpu.memory_space<vmem>>, %arg6: memref<40x512xf32, #tpu.memory_space<vmem>>, %arg7: memref<40x512xf32, #tpu.memory_space<vmem>>, %arg8: memref<40x512xf32, #tpu.memory_space<vmem>>, %arg9: memref<40x512xf32, #tpu.memory_space<vmem>>, %arg10: memref<40x512xf32, #tpu.memory_space<vmem>>, %arg11: memref<40x512xf32, #tpu.memory_space<vmem>>, %arg12: memref<!tpu.dma_semaphore, #tpu.memory_space<semaphore_mem>>, %arg13: memref<!tpu.dma_semaphore, #tpu.memory_space<semaphore_mem>>, %arg14: memref<!tpu.dma_semaphore, #tpu.memory_space<semaphore_mem>>, %arg15: memref<!tpu.dma_semaphore, #tpu.memory_space<semaphore_mem>>, %arg16: memref<!tpu.dma_semaphore, #tpu.memory_space<semaphore_mem>>, %arg17: memref<!tpu.dma_semaphore, #tpu.memory_space<semaphore_mem>>, %arg18: memref<!tpu.dma_semaphore, #tpu.memory_space<semaphore_mem>>, %arg19: memref<!tpu.dma_semaphore, #tpu.memory_space<semaphore_mem>>, %arg20: memref<!tpu.dma_semaphore, #tpu.memory_space<semaphore_mem>>, %arg21: memref<!tpu.dma_semaphore, #tpu.memory_space<semaphore_mem>>, %arg22: memref<!tpu.dma_semaphore, #tpu.memory_space<semaphore_mem>>, %arg23: memref<!tpu.dma_semaphore, #tpu.memory_space<semaphore_mem>>) attributes {dimension_semantics = [#tpu.dimension_semantics<core_parallel>, #tpu.dimension_semantics<subcore_parallel>], iteration_bounds = array<i64: 2, 16>, scalar_prefetch = 0 : i64, scratch_operands = 19 : i64, tpu.core_type = #tpu.core_type<sc_vector_subcore>, window_params = [{transform_indices = #map}, {transform_indices = #map1}, {transform_indices = #map}]} {
    %mul3A = arith.constant 2 : i32
    %mul3A_0 = arith.muli %arg1, %mul3A : i32
    %add3A = arith.addi %mul3A_0, %arg0 : i32
    %mul3A_1 = arith.constant 78 : i32
    %mul3A_2 = arith.muli %add3A, %mul3A_1 : i32
    %min3A = arith.constant 4 : i32
    %min3A_3 = arith.minsi %add3A, %min3A : i32
    %add3A_4 = arith.addi %mul3A_2, %min3A_3 : i32
    %lt3A = arith.constant 4 : i32
    %lt3A_5 = arith.cmpi slt, %add3A, %lt3A : i32
    %jit3A = arith.constant 79 : i32
    %jit3A_6 = arith.constant 78 : i32
    %select_n3A = arith.select %lt3A_5, %jit3A, %jit3A_6 : i32
    %mul3A_7 = arith.constant 40 : i32
    %mul3A_8 = arith.muli %add3A_4, %mul3A_7 : i32
    %multiple_of3A = tpu.assume_multiple %mul3A_8, 8 : i32
    "tpu.region"() ({
      %run_scoped3A = tpu.sem_alloc : memref<!tpu.dma_semaphore, #tpu.memory_space<semaphore_mem>>
      %dma_start3A_54 = tpu.memref_slice %arg3[%multiple_of3A] : memref<100040xi32, #tpu.memory_space<hbm>> -> memref<3160xi32, #tpu.memory_space<hbm>>
      %dma_start3A_55 = tpu.memref_slice %arg3[%multiple_of3A] : memref<100040xi32, #tpu.memory_space<hbm>> -> memref<3160xi32, #tpu.memory_space<hbm>>
      tpu.enqueue_dma source(%dma_start3A_55 : memref<3160xi32, #tpu.memory_space<hbm>>) target(%arg5 : memref<3160xi32, #tpu.memory_space<vmem>>) target_semaphore(%run_scoped3A : memref<!tpu.dma_semaphore, #tpu.memory_space<semaphore_mem>>)
      %dma_wait3A_56 = tpu.memref_slice %arg3[%multiple_of3A] : memref<100040xi32, #tpu.memory_space<hbm>> -> memref<3160xi32, #tpu.memory_space<hbm>>
      %dma_wait3A_57 = tpu.memref_slice %arg3[%multiple_of3A] : memref<100040xi32, #tpu.memory_space<hbm>> -> memref<3160xi32, #tpu.memory_space<hbm>>
      tpu.wait_dma2 semaphore(%run_scoped3A : memref<!tpu.dma_semaphore, #tpu.memory_space<semaphore_mem>>) src(%dma_wait3A_57 : memref<3160xi32, #tpu.memory_space<hbm>>) dst(%arg5 : memref<3160xi32, #tpu.memory_space<vmem>>)
      tpu.yield
    }) : () -> ()
    %multiple_of3A_9 = arith.constant 0 : i32
    %multiple_of3A_10 = tpu.assume_multiple %multiple_of3A_9, 8 : i32
    %dma_start3A = tpu.memref_slice %arg5[%multiple_of3A_10] : memref<3160xi32, #tpu.memory_space<vmem>> -> memref<40xi32, #tpu.memory_space<vmem>>
    %dma_start3A_11 = arith.constant 0 : i32
    %dma_start3A_12 = arith.constant 0 : i32
    %dma_start3A_13 = tpu.memref_slice %arg2[%dma_start3A_11, %dma_start3A_12] : memref<50000x512xf32, #tpu.memory_space<hbm>> -> memref<50000x512xf32, #tpu.memory_space<hbm>>
    tpu.enqueue_indirect_dma source(%dma_start3A_13 : memref<50000x512xf32, #tpu.memory_space<hbm>>) target(%arg6 : memref<40x512xf32, #tpu.memory_space<vmem>>) offsets(%dma_start3A : memref<40xi32, #tpu.memory_space<vmem>>) semaphore(%arg12 : memref<!tpu.dma_semaphore, #tpu.memory_space<semaphore_mem>>)
    %scan3A = arith.constant 0 : i32
    %scan3A_14 = arith.constant 0 : i32
    %scan3A_15 = arith.constant 14 : i32
    %scan3A_16 = arith.addi %scan3A_14, %scan3A_15 : i32
    %scan3A_17 = arith.constant 1 : i32
    scf.for %scan3A_54 = %scan3A_14 to %scan3A_16 step %scan3A_17  : i32 {
      %mul3A_55 = arith.constant 6 : i32
      %mul3A_56 = arith.muli %mul3A_55, %scan3A_54 : i32
      %add3A_57 = arith.constant 1 : i32
      %add3A_58 = arith.addi %mul3A_56, %add3A_57 : i32
      %ge3A = arith.constant 6 : i32
      %ge3A_59 = arith.cmpi sge, %add3A_58, %ge3A : i32
      %lt3A_60 = arith.cmpi slt, %add3A_58, %select_n3A : i32
      %and3A = arith.andi %ge3A_59, %lt3A_60 : i1
      %convert_element_type3A = arith.extui %and3A : i1 to i32
      %cond3A = arith.constant 0 : i32
      %cond3A_61 = arith.cmpi ne, %convert_element_type3A, %cond3A : i32
      scf.if %cond3A_61 {
        %dma_wait3A_176 = arith.constant 0 : i32
        %dma_wait3A_177 = arith.constant 0 : i32
        %dma_wait3A_178 = tpu.memref_slice %arg4[%dma_wait3A_176, %dma_wait3A_177] : memref<100000x512xf32, #tpu.memory_space<hbm>> -> memref<40x512xf32, #tpu.memory_space<hbm>>
        %dma_wait3A_179 = arith.constant 0 : i32
        %dma_wait3A_180 = arith.constant 0 : i32
        %dma_wait3A_181 = tpu.memref_slice %arg4[%dma_wait3A_179, %dma_wait3A_180] : memref<100000x512xf32, #tpu.memory_space<hbm>> -> memref<40x512xf32, #tpu.memory_space<hbm>>
        tpu.wait_dma2 semaphore(%arg19 : memref<!tpu.dma_semaphore, #tpu.memory_space<semaphore_mem>>) src(%arg7 : memref<40x512xf32, #tpu.memory_space<vmem>>) dst(%dma_wait3A_181 : memref<40x512xf32, #tpu.memory_space<hbm>>)
      } else {
      }
      %lt3A_62 = arith.cmpi slt, %add3A_58, %select_n3A : i32
      %convert_element_type3A_63 = arith.extui %lt3A_62 : i1 to i32
      %cond3A_64 = arith.constant 0 : i32
      %cond3A_65 = arith.cmpi ne, %convert_element_type3A_63, %cond3A_64 : i32
      scf.if %cond3A_65 {
        %mul3A_176 = arith.constant 40 : i32
        %mul3A_177 = arith.muli %add3A_58, %mul3A_176 : i32
        %multiple_of3A_178 = tpu.assume_multiple %mul3A_177, 8 : i32
        %dma_start3A_179 = tpu.memref_slice %arg5[%multiple_of3A_178] : memref<3160xi32, #tpu.memory_space<vmem>> -> memref<40xi32, #tpu.memory_space<vmem>>
        %dma_start3A_180 = arith.constant 0 : i32
        %dma_start3A_181 = arith.constant 0 : i32
        %dma_start3A_182 = tpu.memref_slice %arg2[%dma_start3A_180, %dma_start3A_181] : memref<50000x512xf32, #tpu.memory_space<hbm>> -> memref<50000x512xf32, #tpu.memory_space<hbm>>
        tpu.enqueue_indirect_dma source(%dma_start3A_182 : memref<50000x512xf32, #tpu.memory_space<hbm>>) target(%arg7 : memref<40x512xf32, #tpu.memory_space<vmem>>) offsets(%dma_start3A_179 : memref<40xi32, #tpu.memory_space<vmem>>) semaphore(%arg13 : memref<!tpu.dma_semaphore, #tpu.memory_space<semaphore_mem>>)
      } else {
      }
      %sub3A = arith.constant 1 : i32
      %sub3A_66 = arith.subi %add3A_58, %sub3A : i32
      %lt3A_67 = arith.cmpi slt, %sub3A_66, %select_n3A : i32
      %convert_element_type3A_68 = arith.extui %lt3A_67 : i1 to i32
      %cond3A_69 = arith.constant 0 : i32
      %cond3A_70 = arith.cmpi ne, %convert_element_type3A_68, %cond3A_69 : i32
      scf.if %cond3A_70 {
        %dma_wait3A_176 = arith.constant 0 : i32
        %dma_wait3A_177 = arith.constant 0 : i32
        %dma_wait3A_178 = tpu.memref_slice %arg2[%dma_wait3A_176, %dma_wait3A_177] : memref<50000x512xf32, #tpu.memory_space<hbm>> -> memref<40x512xf32, #tpu.memory_space<hbm>>
        %dma_wait3A_179 = arith.constant 0 : i32
        %dma_wait3A_180 = arith.constant 0 : i32
        %dma_wait3A_181 = tpu.memref_slice %arg2[%dma_wait3A_179, %dma_wait3A_180] : memref<50000x512xf32, #tpu.memory_space<hbm>> -> memref<40x512xf32, #tpu.memory_space<hbm>>
        tpu.wait_dma2 semaphore(%arg12 : memref<!tpu.dma_semaphore, #tpu.memory_space<semaphore_mem>>) src(%dma_wait3A_181 : memref<40x512xf32, #tpu.memory_space<hbm>>) dst(%arg6 : memref<40x512xf32, #tpu.memory_space<vmem>>)
        %sub3A_182 = arith.constant 1 : i32
        %sub3A_183 = arith.subi %add3A_58, %sub3A_182 : i32
        %add3A_184 = arith.addi %add3A_4, %sub3A_183 : i32
        %mul3A_185 = arith.constant 40 : i32
        %mul3A_186 = arith.muli %add3A_184, %mul3A_185 : i32
        %multiple_of3A_187 = tpu.assume_multiple %mul3A_186, 8 : i32
        %dma_start3A_188 = arith.constant 0 : i32
        %dma_start3A_189 = tpu.memref_slice %arg4[%multiple_of3A_187, %dma_start3A_188] : memref<100000x512xf32, #tpu.memory_space<hbm>> -> memref<40x512xf32, #tpu.memory_space<hbm>>
        %dma_start3A_190 = arith.constant 0 : i32
        %dma_start3A_191 = tpu.memref_slice %arg4[%multiple_of3A_187, %dma_start3A_190] : memref<100000x512xf32, #tpu.memory_space<hbm>> -> memref<40x512xf32, #tpu.memory_space<hbm>>
        tpu.enqueue_dma source(%arg6 : memref<40x512xf32, #tpu.memory_space<vmem>>) target(%dma_start3A_191 : memref<40x512xf32, #tpu.memory_space<hbm>>) target_semaphore(%arg18 : memref<!tpu.dma_semaphore, #tpu.memory_space<semaphore_mem>>)
      } else {
      }
      %mul3A_71 = arith.constant 6 : i32
      %mul3A_72 = arith.muli %mul3A_71, %scan3A_54 : i32
      %add3A_73 = arith.constant 2 : i32
      %add3A_74 = arith.addi %mul3A_72, %add3A_73 : i32
      %ge3A_75 = arith.constant 6 : i32
      %ge3A_76 = arith.cmpi sge, %add3A_74, %ge3A_75 : i32
      %lt3A_77 = arith.cmpi slt, %add3A_74, %select_n3A : i32
      %and3A_78 = arith.andi %ge3A_76, %lt3A_77 : i1
      %convert_element_type3A_79 = arith.extui %and3A_78 : i1 to i32
      %cond3A_80 = arith.constant 0 : i32
      %cond3A_81 = arith.cmpi ne, %convert_element_type3A_79, %cond3A_80 : i32
      scf.if %cond3A_81 {
        %dma_wait3A_176 = arith.constant 0 : i32
        %dma_wait3A_177 = arith.constant 0 : i32
        %dma_wait3A_178 = tpu.memref_slice %arg4[%dma_wait3A_176, %dma_wait3A_177] : memref<100000x512xf32, #tpu.memory_space<hbm>> -> memref<40x512xf32, #tpu.memory_space<hbm>>
        %dma_wait3A_179 = arith.constant 0 : i32
        %dma_wait3A_180 = arith.constant 0 : i32
        %dma_wait3A_181 = tpu.memref_slice %arg4[%dma_wait3A_179, %dma_wait3A_180] : memref<100000x512xf32, #tpu.memory_space<hbm>> -> memref<40x512xf32, #tpu.memory_space<hbm>>
        tpu.wait_dma2 semaphore(%arg20 : memref<!tpu.dma_semaphore, #tpu.memory_space<semaphore_mem>>) src(%arg8 : memref<40x512xf32, #tpu.memory_space<vmem>>) dst(%dma_wait3A_181 : memref<40x512xf32, #tpu.memory_space<hbm>>)
      } else {
      }
      %lt3A_82 = arith.cmpi slt, %add3A_74, %select_n3A : i32
      %convert_element_type3A_83 = arith.extui %lt3A_82 : i1 to i32
      %cond3A_84 = arith.constant 0 : i32
      %cond3A_85 = arith.cmpi ne, %convert_element_type3A_83, %cond3A_84 : i32
      scf.if %cond3A_85 {
        %mul3A_176 = arith.constant 40 : i32
        %mul3A_177 = arith.muli %add3A_74, %mul3A_176 : i32
        %multiple_of3A_178 = tpu.assume_multiple %mul3A_177, 8 : i32
        %dma_start3A_179 = tpu.memref_slice %arg5[%multiple_of3A_178] : memref<3160xi32, #tpu.memory_space<vmem>> -> memref<40xi32, #tpu.memory_space<vmem>>
        %dma_start3A_180 = arith.constant 0 : i32
        %dma_start3A_181 = arith.constant 0 : i32
        %dma_start3A_182 = tpu.memref_slice %arg2[%dma_start3A_180, %dma_start3A_181] : memref<50000x512xf32, #tpu.memory_space<hbm>> -> memref<50000x512xf32, #tpu.memory_space<hbm>>
        tpu.enqueue_indirect_dma source(%dma_start3A_182 : memref<50000x512xf32, #tpu.memory_space<hbm>>) target(%arg8 : memref<40x512xf32, #tpu.memory_space<vmem>>) offsets(%dma_start3A_179 : memref<40xi32, #tpu.memory_space<vmem>>) semaphore(%arg14 : memref<!tpu.dma_semaphore, #tpu.memory_space<semaphore_mem>>)
      } else {
      }
      %sub3A_86 = arith.constant 1 : i32
      %sub3A_87 = arith.subi %add3A_74, %sub3A_86 : i32
      %lt3A_88 = arith.cmpi slt, %sub3A_87, %select_n3A : i32
      %convert_element_type3A_89 = arith.extui %lt3A_88 : i1 to i32
      %cond3A_90 = arith.constant 0 : i32
      %cond3A_91 = arith.cmpi ne, %convert_element_type3A_89, %cond3A_90 : i32
      scf.if %cond3A_91 {
        %dma_wait3A_176 = arith.constant 0 : i32
        %dma_wait3A_177 = arith.constant 0 : i32
        %dma_wait3A_178 = tpu.memref_slice %arg2[%dma_wait3A_176, %dma_wait3A_177] : memref<50000x512xf32, #tpu.memory_space<hbm>> -> memref<40x512xf32, #tpu.memory_space<hbm>>
        %dma_wait3A_179 = arith.constant 0 : i32
        %dma_wait3A_180 = arith.constant 0 : i32
        %dma_wait3A_181 = tpu.memref_slice %arg2[%dma_wait3A_179, %dma_wait3A_180] : memref<50000x512xf32, #tpu.memory_space<hbm>> -> memref<40x512xf32, #tpu.memory_space<hbm>>
        tpu.wait_dma2 semaphore(%arg13 : memref<!tpu.dma_semaphore, #tpu.memory_space<semaphore_mem>>) src(%dma_wait3A_181 : memref<40x512xf32, #tpu.memory_space<hbm>>) dst(%arg7 : memref<40x512xf32, #tpu.memory_space<vmem>>)
        %sub3A_182 = arith.constant 1 : i32
        %sub3A_183 = arith.subi %add3A_74, %sub3A_182 : i32
        %add3A_184 = arith.addi %add3A_4, %sub3A_183 : i32
        %mul3A_185 = arith.constant 40 : i32
        %mul3A_186 = arith.muli %add3A_184, %mul3A_185 : i32
        %multiple_of3A_187 = tpu.assume_multiple %mul3A_186, 8 : i32
        %dma_start3A_188 = arith.constant 0 : i32
        %dma_start3A_189 = tpu.memref_slice %arg4[%multiple_of3A_187, %dma_start3A_188] : memref<100000x512xf32, #tpu.memory_space<hbm>> -> memref<40x512xf32, #tpu.memory_space<hbm>>
        %dma_start3A_190 = arith.constant 0 : i32
        %dma_start3A_191 = tpu.memref_slice %arg4[%multiple_of3A_187, %dma_start3A_190] : memref<100000x512xf32, #tpu.memory_space<hbm>> -> memref<40x512xf32, #tpu.memory_space<hbm>>
        tpu.enqueue_dma source(%arg7 : memref<40x512xf32, #tpu.memory_space<vmem>>) target(%dma_start3A_191 : memref<40x512xf32, #tpu.memory_space<hbm>>) target_semaphore(%arg19 : memref<!tpu.dma_semaphore, #tpu.memory_space<semaphore_mem>>)
      } else {
      }
      %mul3A_92 = arith.constant 6 : i32
      %mul3A_93 = arith.muli %mul3A_92, %scan3A_54 : i32
      %add3A_94 = arith.constant 3 : i32
      %add3A_95 = arith.addi %mul3A_93, %add3A_94 : i32
      %ge3A_96 = arith.constant 6 : i32
      %ge3A_97 = arith.cmpi sge, %add3A_95, %ge3A_96 : i32
      %lt3A_98 = arith.cmpi slt, %add3A_95, %select_n3A : i32
      %and3A_99 = arith.andi %ge3A_97, %lt3A_98 : i1
      %convert_element_type3A_100 = arith.extui %and3A_99 : i1 to i32
      %cond3A_101 = arith.constant 0 : i32
      %cond3A_102 = arith.cmpi ne, %convert_element_type3A_100, %cond3A_101 : i32
      scf.if %cond3A_102 {
        %dma_wait3A_176 = arith.constant 0 : i32
        %dma_wait3A_177 = arith.constant 0 : i32
        %dma_wait3A_178 = tpu.memref_slice %arg4[%dma_wait3A_176, %dma_wait3A_177] : memref<100000x512xf32, #tpu.memory_space<hbm>> -> memref<40x512xf32, #tpu.memory_space<hbm>>
        %dma_wait3A_179 = arith.constant 0 : i32
        %dma_wait3A_180 = arith.constant 0 : i32
        %dma_wait3A_181 = tpu.memref_slice %arg4[%dma_wait3A_179, %dma_wait3A_180] : memref<100000x512xf32, #tpu.memory_space<hbm>> -> memref<40x512xf32, #tpu.memory_space<hbm>>
        tpu.wait_dma2 semaphore(%arg21 : memref<!tpu.dma_semaphore, #tpu.memory_space<semaphore_mem>>) src(%arg9 : memref<40x512xf32, #tpu.memory_space<vmem>>) dst(%dma_wait3A_181 : memref<40x512xf32, #tpu.memory_space<hbm>>)
      } else {
      }
      %lt3A_103 = arith.cmpi slt, %add3A_95, %select_n3A : i32
      %convert_element_type3A_104 = arith.extui %lt3A_103 : i1 to i32
      %cond3A_105 = arith.constant 0 : i32
      %cond3A_106 = arith.cmpi ne, %convert_element_type3A_104, %cond3A_105 : i32
      scf.if %cond3A_106 {
        %mul3A_176 = arith.constant 40 : i32
        %mul3A_177 = arith.muli %add3A_95, %mul3A_176 : i32
        %multiple_of3A_178 = tpu.assume_multiple %mul3A_177, 8 : i32
        %dma_start3A_179 = tpu.memref_slice %arg5[%multiple_of3A_178] : memref<3160xi32, #tpu.memory_space<vmem>> -> memref<40xi32, #tpu.memory_space<vmem>>
        %dma_start3A_180 = arith.constant 0 : i32
        %dma_start3A_181 = arith.constant 0 : i32
        %dma_start3A_182 = tpu.memref_slice %arg2[%dma_start3A_180, %dma_start3A_181] : memref<50000x512xf32, #tpu.memory_space<hbm>> -> memref<50000x512xf32, #tpu.memory_space<hbm>>
        tpu.enqueue_indirect_dma source(%dma_start3A_182 : memref<50000x512xf32, #tpu.memory_space<hbm>>) target(%arg9 : memref<40x512xf32, #tpu.memory_space<vmem>>) offsets(%dma_start3A_179 : memref<40xi32, #tpu.memory_space<vmem>>) semaphore(%arg15 : memref<!tpu.dma_semaphore, #tpu.memory_space<semaphore_mem>>)
      } else {
      }
      %sub3A_107 = arith.constant 1 : i32
      %sub3A_108 = arith.subi %add3A_95, %sub3A_107 : i32
      %lt3A_109 = arith.cmpi slt, %sub3A_108, %select_n3A : i32
      %convert_element_type3A_110 = arith.extui %lt3A_109 : i1 to i32
      %cond3A_111 = arith.constant 0 : i32
      %cond3A_112 = arith.cmpi ne, %convert_element_type3A_110, %cond3A_111 : i32
      scf.if %cond3A_112 {
        %dma_wait3A_176 = arith.constant 0 : i32
        %dma_wait3A_177 = arith.constant 0 : i32
        %dma_wait3A_178 = tpu.memref_slice %arg2[%dma_wait3A_176, %dma_wait3A_177] : memref<50000x512xf32, #tpu.memory_space<hbm>> -> memref<40x512xf32, #tpu.memory_space<hbm>>
        %dma_wait3A_179 = arith.constant 0 : i32
        %dma_wait3A_180 = arith.constant 0 : i32
        %dma_wait3A_181 = tpu.memref_slice %arg2[%dma_wait3A_179, %dma_wait3A_180] : memref<50000x512xf32, #tpu.memory_space<hbm>> -> memref<40x512xf32, #tpu.memory_space<hbm>>
        tpu.wait_dma2 semaphore(%arg14 : memref<!tpu.dma_semaphore, #tpu.memory_space<semaphore_mem>>) src(%dma_wait3A_181 : memref<40x512xf32, #tpu.memory_space<hbm>>) dst(%arg8 : memref<40x512xf32, #tpu.memory_space<vmem>>)
        %sub3A_182 = arith.constant 1 : i32
        %sub3A_183 = arith.subi %add3A_95, %sub3A_182 : i32
        %add3A_184 = arith.addi %add3A_4, %sub3A_183 : i32
        %mul3A_185 = arith.constant 40 : i32
        %mul3A_186 = arith.muli %add3A_184, %mul3A_185 : i32
        %multiple_of3A_187 = tpu.assume_multiple %mul3A_186, 8 : i32
        %dma_start3A_188 = arith.constant 0 : i32
        %dma_start3A_189 = tpu.memref_slice %arg4[%multiple_of3A_187, %dma_start3A_188] : memref<100000x512xf32, #tpu.memory_space<hbm>> -> memref<40x512xf32, #tpu.memory_space<hbm>>
        %dma_start3A_190 = arith.constant 0 : i32
        %dma_start3A_191 = tpu.memref_slice %arg4[%multiple_of3A_187, %dma_start3A_190] : memref<100000x512xf32, #tpu.memory_space<hbm>> -> memref<40x512xf32, #tpu.memory_space<hbm>>
        tpu.enqueue_dma source(%arg8 : memref<40x512xf32, #tpu.memory_space<vmem>>) target(%dma_start3A_191 : memref<40x512xf32, #tpu.memory_space<hbm>>) target_semaphore(%arg20 : memref<!tpu.dma_semaphore, #tpu.memory_space<semaphore_mem>>)
      } else {
      }
      %mul3A_113 = arith.constant 6 : i32
      %mul3A_114 = arith.muli %mul3A_113, %scan3A_54 : i32
      %add3A_115 = arith.constant 4 : i32
      %add3A_116 = arith.addi %mul3A_114, %add3A_115 : i32
      %ge3A_117 = arith.constant 6 : i32
      %ge3A_118 = arith.cmpi sge, %add3A_116, %ge3A_117 : i32
      %lt3A_119 = arith.cmpi slt, %add3A_116, %select_n3A : i32
      %and3A_120 = arith.andi %ge3A_118, %lt3A_119 : i1
      %convert_element_type3A_121 = arith.extui %and3A_120 : i1 to i32
      %cond3A_122 = arith.constant 0 : i32
      %cond3A_123 = arith.cmpi ne, %convert_element_type3A_121, %cond3A_122 : i32
      scf.if %cond3A_123 {
        %dma_wait3A_176 = arith.constant 0 : i32
        %dma_wait3A_177 = arith.constant 0 : i32
        %dma_wait3A_178 = tpu.memref_slice %arg4[%dma_wait3A_176, %dma_wait3A_177] : memref<100000x512xf32, #tpu.memory_space<hbm>> -> memref<40x512xf32, #tpu.memory_space<hbm>>
        %dma_wait3A_179 = arith.constant 0 : i32
        %dma_wait3A_180 = arith.constant 0 : i32
        %dma_wait3A_181 = tpu.memref_slice %arg4[%dma_wait3A_179, %dma_wait3A_180] : memref<100000x512xf32, #tpu.memory_space<hbm>> -> memref<40x512xf32, #tpu.memory_space<hbm>>
        tpu.wait_dma2 semaphore(%arg22 : memref<!tpu.dma_semaphore, #tpu.memory_space<semaphore_mem>>) src(%arg10 : memref<40x512xf32, #tpu.memory_space<vmem>>) dst(%dma_wait3A_181 : memref<40x512xf32, #tpu.memory_space<hbm>>)
      } else {
      }
      %lt3A_124 = arith.cmpi slt, %add3A_116, %select_n3A : i32
      %convert_element_type3A_125 = arith.extui %lt3A_124 : i1 to i32
      %cond3A_126 = arith.constant 0 : i32
      %cond3A_127 = arith.cmpi ne, %convert_element_type3A_125, %cond3A_126 : i32
      scf.if %cond3A_127 {
        %mul3A_176 = arith.constant 40 : i32
        %mul3A_177 = arith.muli %add3A_116, %mul3A_176 : i32
        %multiple_of3A_178 = tpu.assume_multiple %mul3A_177, 8 : i32
        %dma_start3A_179 = tpu.memref_slice %arg5[%multiple_of3A_178] : memref<3160xi32, #tpu.memory_space<vmem>> -> memref<40xi32, #tpu.memory_space<vmem>>
        %dma_start3A_180 = arith.constant 0 : i32
        %dma_start3A_181 = arith.constant 0 : i32
        %dma_start3A_182 = tpu.memref_slice %arg2[%dma_start3A_180, %dma_start3A_181] : memref<50000x512xf32, #tpu.memory_space<hbm>> -> memref<50000x512xf32, #tpu.memory_space<hbm>>
        tpu.enqueue_indirect_dma source(%dma_start3A_182 : memref<50000x512xf32, #tpu.memory_space<hbm>>) target(%arg10 : memref<40x512xf32, #tpu.memory_space<vmem>>) offsets(%dma_start3A_179 : memref<40xi32, #tpu.memory_space<vmem>>) semaphore(%arg16 : memref<!tpu.dma_semaphore, #tpu.memory_space<semaphore_mem>>)
      } else {
      }
      %sub3A_128 = arith.constant 1 : i32
      %sub3A_129 = arith.subi %add3A_116, %sub3A_128 : i32
      %lt3A_130 = arith.cmpi slt, %sub3A_129, %select_n3A : i32
      %convert_element_type3A_131 = arith.extui %lt3A_130 : i1 to i32
      %cond3A_132 = arith.constant 0 : i32
      %cond3A_133 = arith.cmpi ne, %convert_element_type3A_131, %cond3A_132 : i32
      scf.if %cond3A_133 {
        %dma_wait3A_176 = arith.constant 0 : i32
        %dma_wait3A_177 = arith.constant 0 : i32
        %dma_wait3A_178 = tpu.memref_slice %arg2[%dma_wait3A_176, %dma_wait3A_177] : memref<50000x512xf32, #tpu.memory_space<hbm>> -> memref<40x512xf32, #tpu.memory_space<hbm>>
        %dma_wait3A_179 = arith.constant 0 : i32
        %dma_wait3A_180 = arith.constant 0 : i32
        %dma_wait3A_181 = tpu.memref_slice %arg2[%dma_wait3A_179, %dma_wait3A_180] : memref<50000x512xf32, #tpu.memory_space<hbm>> -> memref<40x512xf32, #tpu.memory_space<hbm>>
        tpu.wait_dma2 semaphore(%arg15 : memref<!tpu.dma_semaphore, #tpu.memory_space<semaphore_mem>>) src(%dma_wait3A_181 : memref<40x512xf32, #tpu.memory_space<hbm>>) dst(%arg9 : memref<40x512xf32, #tpu.memory_space<vmem>>)
        %sub3A_182 = arith.constant 1 : i32
        %sub3A_183 = arith.subi %add3A_116, %sub3A_182 : i32
        %add3A_184 = arith.addi %add3A_4, %sub3A_183 : i32
        %mul3A_185 = arith.constant 40 : i32
        %mul3A_186 = arith.muli %add3A_184, %mul3A_185 : i32
        %multiple_of3A_187 = tpu.assume_multiple %mul3A_186, 8 : i32
        %dma_start3A_188 = arith.constant 0 : i32
        %dma_start3A_189 = tpu.memref_slice %arg4[%multiple_of3A_187, %dma_start3A_188] : memref<100000x512xf32, #tpu.memory_space<hbm>> -> memref<40x512xf32, #tpu.memory_space<hbm>>
        %dma_start3A_190 = arith.constant 0 : i32
        %dma_start3A_191 = tpu.memref_slice %arg4[%multiple_of3A_187, %dma_start3A_190] : memref<100000x512xf32, #tpu.memory_space<hbm>> -> memref<40x512xf32, #tpu.memory_space<hbm>>
        tpu.enqueue_dma source(%arg9 : memref<40x512xf32, #tpu.memory_space<vmem>>) target(%dma_start3A_191 : memref<40x512xf32, #tpu.memory_space<hbm>>) target_semaphore(%arg21 : memref<!tpu.dma_semaphore, #tpu.memory_space<semaphore_mem>>)
      } else {
      }
      %mul3A_134 = arith.constant 6 : i32
      %mul3A_135 = arith.muli %mul3A_134, %scan3A_54 : i32
      %add3A_136 = arith.constant 5 : i32
      %add3A_137 = arith.addi %mul3A_135, %add3A_136 : i32
      %ge3A_138 = arith.constant 6 : i32
      %ge3A_139 = arith.cmpi sge, %add3A_137, %ge3A_138 : i32
      %lt3A_140 = arith.cmpi slt, %add3A_137, %select_n3A : i32
      %and3A_141 = arith.andi %ge3A_139, %lt3A_140 : i1
      %convert_element_type3A_142 = arith.extui %and3A_141 : i1 to i32
      %cond3A_143 = arith.constant 0 : i32
      %cond3A_144 = arith.cmpi ne, %convert_element_type3A_142, %cond3A_143 : i32
      scf.if %cond3A_144 {
        %dma_wait3A_176 = arith.constant 0 : i32
        %dma_wait3A_177 = arith.constant 0 : i32
        %dma_wait3A_178 = tpu.memref_slice %arg4[%dma_wait3A_176, %dma_wait3A_177] : memref<100000x512xf32, #tpu.memory_space<hbm>> -> memref<40x512xf32, #tpu.memory_space<hbm>>
        %dma_wait3A_179 = arith.constant 0 : i32
        %dma_wait3A_180 = arith.constant 0 : i32
        %dma_wait3A_181 = tpu.memref_slice %arg4[%dma_wait3A_179, %dma_wait3A_180] : memref<100000x512xf32, #tpu.memory_space<hbm>> -> memref<40x512xf32, #tpu.memory_space<hbm>>
        tpu.wait_dma2 semaphore(%arg23 : memref<!tpu.dma_semaphore, #tpu.memory_space<semaphore_mem>>) src(%arg11 : memref<40x512xf32, #tpu.memory_space<vmem>>) dst(%dma_wait3A_181 : memref<40x512xf32, #tpu.memory_space<hbm>>)
      } else {
      }
      %lt3A_145 = arith.cmpi slt, %add3A_137, %select_n3A : i32
      %convert_element_type3A_146 = arith.extui %lt3A_145 : i1 to i32
      %cond3A_147 = arith.constant 0 : i32
      %cond3A_148 = arith.cmpi ne, %convert_element_type3A_146, %cond3A_147 : i32
      scf.if %cond3A_148 {
        %mul3A_176 = arith.constant 40 : i32
        %mul3A_177 = arith.muli %add3A_137, %mul3A_176 : i32
        %multiple_of3A_178 = tpu.assume_multiple %mul3A_177, 8 : i32
        %dma_start3A_179 = tpu.memref_slice %arg5[%multiple_of3A_178] : memref<3160xi32, #tpu.memory_space<vmem>> -> memref<40xi32, #tpu.memory_space<vmem>>
        %dma_start3A_180 = arith.constant 0 : i32
        %dma_start3A_181 = arith.constant 0 : i32
        %dma_start3A_182 = tpu.memref_slice %arg2[%dma_start3A_180, %dma_start3A_181] : memref<50000x512xf32, #tpu.memory_space<hbm>> -> memref<50000x512xf32, #tpu.memory_space<hbm>>
        tpu.enqueue_indirect_dma source(%dma_start3A_182 : memref<50000x512xf32, #tpu.memory_space<hbm>>) target(%arg11 : memref<40x512xf32, #tpu.memory_space<vmem>>) offsets(%dma_start3A_179 : memref<40xi32, #tpu.memory_space<vmem>>) semaphore(%arg17 : memref<!tpu.dma_semaphore, #tpu.memory_space<semaphore_mem>>)
      } else {
      }
      %sub3A_149 = arith.constant 1 : i32
      %sub3A_150 = arith.subi %add3A_137, %sub3A_149 : i32
      %lt3A_151 = arith.cmpi slt, %sub3A_150, %select_n3A : i32
      %convert_element_type3A_152 = arith.extui %lt3A_151 : i1 to i32
      %cond3A_153 = arith.constant 0 : i32
      %cond3A_154 = arith.cmpi ne, %convert_element_type3A_152, %cond3A_153 : i32
      scf.if %cond3A_154 {
        %dma_wait3A_176 = arith.constant 0 : i32
        %dma_wait3A_177 = arith.constant 0 : i32
        %dma_wait3A_178 = tpu.memref_slice %arg2[%dma_wait3A_176, %dma_wait3A_177] : memref<50000x512xf32, #tpu.memory_space<hbm>> -> memref<40x512xf32, #tpu.memory_space<hbm>>
        %dma_wait3A_179 = arith.constant 0 : i32
        %dma_wait3A_180 = arith.constant 0 : i32
        %dma_wait3A_181 = tpu.memref_slice %arg2[%dma_wait3A_179, %dma_wait3A_180] : memref<50000x512xf32, #tpu.memory_space<hbm>> -> memref<40x512xf32, #tpu.memory_space<hbm>>
        tpu.wait_dma2 semaphore(%arg16 : memref<!tpu.dma_semaphore, #tpu.memory_space<semaphore_mem>>) src(%dma_wait3A_181 : memref<40x512xf32, #tpu.memory_space<hbm>>) dst(%arg10 : memref<40x512xf32, #tpu.memory_space<vmem>>)
        %sub3A_182 = arith.constant 1 : i32
        %sub3A_183 = arith.subi %add3A_137, %sub3A_182 : i32
        %add3A_184 = arith.addi %add3A_4, %sub3A_183 : i32
        %mul3A_185 = arith.constant 40 : i32
        %mul3A_186 = arith.muli %add3A_184, %mul3A_185 : i32
        %multiple_of3A_187 = tpu.assume_multiple %mul3A_186, 8 : i32
        %dma_start3A_188 = arith.constant 0 : i32
        %dma_start3A_189 = tpu.memref_slice %arg4[%multiple_of3A_187, %dma_start3A_188] : memref<100000x512xf32, #tpu.memory_space<hbm>> -> memref<40x512xf32, #tpu.memory_space<hbm>>
        %dma_start3A_190 = arith.constant 0 : i32
        %dma_start3A_191 = tpu.memref_slice %arg4[%multiple_of3A_187, %dma_start3A_190] : memref<100000x512xf32, #tpu.memory_space<hbm>> -> memref<40x512xf32, #tpu.memory_space<hbm>>
        tpu.enqueue_dma source(%arg10 : memref<40x512xf32, #tpu.memory_space<vmem>>) target(%dma_start3A_191 : memref<40x512xf32, #tpu.memory_space<hbm>>) target_semaphore(%arg22 : memref<!tpu.dma_semaphore, #tpu.memory_space<semaphore_mem>>)
      } else {
      }
      %mul3A_155 = arith.constant 6 : i32
      %mul3A_156 = arith.muli %mul3A_155, %scan3A_54 : i32
      %add3A_157 = arith.constant 6 : i32
      %add3A_158 = arith.addi %mul3A_156, %add3A_157 : i32
      %ge3A_159 = arith.constant 6 : i32
      %ge3A_160 = arith.cmpi sge, %add3A_158, %ge3A_159 : i32
      %lt3A_161 = arith.cmpi slt, %add3A_158, %select_n3A : i32
      %and3A_162 = arith.andi %ge3A_160, %lt3A_161 : i1
      %convert_element_type3A_163 = arith.extui %and3A_162 : i1 to i32
      %cond3A_164 = arith.constant 0 : i32
      %cond3A_165 = arith.cmpi ne, %convert_element_type3A_163, %cond3A_164 : i32
      scf.if %cond3A_165 {
        %dma_wait3A_176 = arith.constant 0 : i32
        %dma_wait3A_177 = arith.constant 0 : i32
        %dma_wait3A_178 = tpu.memref_slice %arg4[%dma_wait3A_176, %dma_wait3A_177] : memref<100000x512xf32, #tpu.memory_space<hbm>> -> memref<40x512xf32, #tpu.memory_space<hbm>>
        %dma_wait3A_179 = arith.constant 0 : i32
        %dma_wait3A_180 = arith.constant 0 : i32
        %dma_wait3A_181 = tpu.memref_slice %arg4[%dma_wait3A_179, %dma_wait3A_180] : memref<100000x512xf32, #tpu.memory_space<hbm>> -> memref<40x512xf32, #tpu.memory_space<hbm>>
        tpu.wait_dma2 semaphore(%arg18 : memref<!tpu.dma_semaphore, #tpu.memory_space<semaphore_mem>>) src(%arg6 : memref<40x512xf32, #tpu.memory_space<vmem>>) dst(%dma_wait3A_181 : memref<40x512xf32, #tpu.memory_space<hbm>>)
      } else {
      }
      %lt3A_166 = arith.cmpi slt, %add3A_158, %select_n3A : i32
      %convert_element_type3A_167 = arith.extui %lt3A_166 : i1 to i32
      %cond3A_168 = arith.constant 0 : i32
      %cond3A_169 = arith.cmpi ne, %convert_element_type3A_167, %cond3A_168 : i32
      scf.if %cond3A_169 {
        %mul3A_176 = arith.constant 40 : i32
        %mul3A_177 = arith.muli %add3A_158, %mul3A_176 : i32
        %multiple_of3A_178 = tpu.assume_multiple %mul3A_177, 8 : i32
        %dma_start3A_179 = tpu.memref_slice %arg5[%multiple_of3A_178] : memref<3160xi32, #tpu.memory_space<vmem>> -> memref<40xi32, #tpu.memory_space<vmem>>
        %dma_start3A_180 = arith.constant 0 : i32
        %dma_start3A_181 = arith.constant 0 : i32
        %dma_start3A_182 = tpu.memref_slice %arg2[%dma_start3A_180, %dma_start3A_181] : memref<50000x512xf32, #tpu.memory_space<hbm>> -> memref<50000x512xf32, #tpu.memory_space<hbm>>
        tpu.enqueue_indirect_dma source(%dma_start3A_182 : memref<50000x512xf32, #tpu.memory_space<hbm>>) target(%arg6 : memref<40x512xf32, #tpu.memory_space<vmem>>) offsets(%dma_start3A_179 : memref<40xi32, #tpu.memory_space<vmem>>) semaphore(%arg12 : memref<!tpu.dma_semaphore, #tpu.memory_space<semaphore_mem>>)
      } else {
      }
      %sub3A_170 = arith.constant 1 : i32
      %sub3A_171 = arith.subi %add3A_158, %sub3A_170 : i32
      %lt3A_172 = arith.cmpi slt, %sub3A_171, %select_n3A : i32
      %convert_element_type3A_173 = arith.extui %lt3A_172 : i1 to i32
      %cond3A_174 = arith.constant 0 : i32
      %cond3A_175 = arith.cmpi ne, %convert_element_type3A_173, %cond3A_174 : i32
      scf.if %cond3A_175 {
        %dma_wait3A_176 = arith.constant 0 : i32
        %dma_wait3A_177 = arith.constant 0 : i32
        %dma_wait3A_178 = tpu.memref_slice %arg2[%dma_wait3A_176, %dma_wait3A_177] : memref<50000x512xf32, #tpu.memory_space<hbm>> -> memref<40x512xf32, #tpu.memory_space<hbm>>
        %dma_wait3A_179 = arith.constant 0 : i32
        %dma_wait3A_180 = arith.constant 0 : i32
        %dma_wait3A_181 = tpu.memref_slice %arg2[%dma_wait3A_179, %dma_wait3A_180] : memref<50000x512xf32, #tpu.memory_space<hbm>> -> memref<40x512xf32, #tpu.memory_space<hbm>>
        tpu.wait_dma2 semaphore(%arg17 : memref<!tpu.dma_semaphore, #tpu.memory_space<semaphore_mem>>) src(%dma_wait3A_181 : memref<40x512xf32, #tpu.memory_space<hbm>>) dst(%arg11 : memref<40x512xf32, #tpu.memory_space<vmem>>)
        %sub3A_182 = arith.constant 1 : i32
        %sub3A_183 = arith.subi %add3A_158, %sub3A_182 : i32
        %add3A_184 = arith.addi %add3A_4, %sub3A_183 : i32
        %mul3A_185 = arith.constant 40 : i32
        %mul3A_186 = arith.muli %add3A_184, %mul3A_185 : i32
        %multiple_of3A_187 = tpu.assume_multiple %mul3A_186, 8 : i32
        %dma_start3A_188 = arith.constant 0 : i32
        %dma_start3A_189 = tpu.memref_slice %arg4[%multiple_of3A_187, %dma_start3A_188] : memref<100000x512xf32, #tpu.memory_space<hbm>> -> memref<40x512xf32, #tpu.memory_space<hbm>>
        %dma_start3A_190 = arith.constant 0 : i32
        %dma_start3A_191 = tpu.memref_slice %arg4[%multiple_of3A_187, %dma_start3A_190] : memref<100000x512xf32, #tpu.memory_space<hbm>> -> memref<40x512xf32, #tpu.memory_space<hbm>>
        tpu.enqueue_dma source(%arg11 : memref<40x512xf32, #tpu.memory_space<vmem>>) target(%dma_start3A_191 : memref<40x512xf32, #tpu.memory_space<hbm>>) target_semaphore(%arg23 : memref<!tpu.dma_semaphore, #tpu.memory_space<semaphore_mem>>)
      } else {
      }
    }
    %scan3A_18 = arith.constant 14 : i32
    %dma_wait3A = arith.constant 0 : i32
    %dma_wait3A_19 = arith.constant 0 : i32
    %dma_wait3A_20 = tpu.memref_slice %arg4[%dma_wait3A, %dma_wait3A_19] : memref<100000x512xf32, #tpu.memory_space<hbm>> -> memref<40x512xf32, #tpu.memory_space<hbm>>
    %dma_wait3A_21 = arith.constant 0 : i32
    %dma_wait3A_22 = arith.constant 0 : i32
    %dma_wait3A_23 = tpu.memref_slice %arg4[%dma_wait3A_21, %dma_wait3A_22] : memref<100000x512xf32, #tpu.memory_space<hbm>> -> memref<40x512xf32, #tpu.memory_space<hbm>>
    tpu.wait_dma2 semaphore(%arg18 : memref<!tpu.dma_semaphore, #tpu.memory_space<semaphore_mem>>) src(%arg6 : memref<40x512xf32, #tpu.memory_space<vmem>>) dst(%dma_wait3A_23 : memref<40x512xf32, #tpu.memory_space<hbm>>)
    %dma_wait3A_24 = arith.constant 0 : i32
    %dma_wait3A_25 = arith.constant 0 : i32
    %dma_wait3A_26 = tpu.memref_slice %arg4[%dma_wait3A_24, %dma_wait3A_25] : memref<100000x512xf32, #tpu.memory_space<hbm>> -> memref<40x512xf32, #tpu.memory_space<hbm>>
    %dma_wait3A_27 = arith.constant 0 : i32
    %dma_wait3A_28 = arith.constant 0 : i32
    %dma_wait3A_29 = tpu.memref_slice %arg4[%dma_wait3A_27, %dma_wait3A_28] : memref<100000x512xf32, #tpu.memory_space<hbm>> -> memref<40x512xf32, #tpu.memory_space<hbm>>
    tpu.wait_dma2 semaphore(%arg19 : memref<!tpu.dma_semaphore, #tpu.memory_space<semaphore_mem>>) src(%arg7 : memref<40x512xf32, #tpu.memory_space<vmem>>) dst(%dma_wait3A_29 : memref<40x512xf32, #tpu.memory_space<hbm>>)
    %dma_wait3A_30 = arith.constant 0 : i32
    %dma_wait3A_31 = arith.constant 0 : i32
    %dma_wait3A_32 = tpu.memref_slice %arg4[%dma_wait3A_30, %dma_wait3A_31] : memref<100000x512xf32, #tpu.memory_space<hbm>> -> memref<40x512xf32, #tpu.memory_space<hbm>>
    %dma_wait3A_33 = arith.constant 0 : i32
    %dma_wait3A_34 = arith.constant 0 : i32
    %dma_wait3A_35 = tpu.memref_slice %arg4[%dma_wait3A_33, %dma_wait3A_34] : memref<100000x512xf32, #tpu.memory_space<hbm>> -> memref<40x512xf32, #tpu.memory_space<hbm>>
    tpu.wait_dma2 semaphore(%arg20 : memref<!tpu.dma_semaphore, #tpu.memory_space<semaphore_mem>>) src(%arg8 : memref<40x512xf32, #tpu.memory_space<vmem>>) dst(%dma_wait3A_35 : memref<40x512xf32, #tpu.memory_space<hbm>>)
    %dma_wait3A_36 = arith.constant 0 : i32
    %dma_wait3A_37 = arith.constant 0 : i32
    %dma_wait3A_38 = tpu.memref_slice %arg4[%dma_wait3A_36, %dma_wait3A_37] : memref<100000x512xf32, #tpu.memory_space<hbm>> -> memref<40x512xf32, #tpu.memory_space<hbm>>
    %dma_wait3A_39 = arith.constant 0 : i32
    %dma_wait3A_40 = arith.constant 0 : i32
    %dma_wait3A_41 = tpu.memref_slice %arg4[%dma_wait3A_39, %dma_wait3A_40] : memref<100000x512xf32, #tpu.memory_space<hbm>> -> memref<40x512xf32, #tpu.memory_space<hbm>>
    tpu.wait_dma2 semaphore(%arg21 : memref<!tpu.dma_semaphore, #tpu.memory_space<semaphore_mem>>) src(%arg9 : memref<40x512xf32, #tpu.memory_space<vmem>>) dst(%dma_wait3A_41 : memref<40x512xf32, #tpu.memory_space<hbm>>)
    %dma_wait3A_42 = arith.constant 0 : i32
    %dma_wait3A_43 = arith.constant 0 : i32
    %dma_wait3A_44 = tpu.memref_slice %arg4[%dma_wait3A_42, %dma_wait3A_43] : memref<100000x512xf32, #tpu.memory_space<hbm>> -> memref<40x512xf32, #tpu.memory_space<hbm>>
    %dma_wait3A_45 = arith.constant 0 : i32
    %dma_wait3A_46 = arith.constant 0 : i32
    %dma_wait3A_47 = tpu.memref_slice %arg4[%dma_wait3A_45, %dma_wait3A_46] : memref<100000x512xf32, #tpu.memory_space<hbm>> -> memref<40x512xf32, #tpu.memory_space<hbm>>
    tpu.wait_dma2 semaphore(%arg22 : memref<!tpu.dma_semaphore, #tpu.memory_space<semaphore_mem>>) src(%arg10 : memref<40x512xf32, #tpu.memory_space<vmem>>) dst(%dma_wait3A_47 : memref<40x512xf32, #tpu.memory_space<hbm>>)
    %dma_wait3A_48 = arith.constant 0 : i32
    %dma_wait3A_49 = arith.constant 0 : i32
    %dma_wait3A_50 = tpu.memref_slice %arg4[%dma_wait3A_48, %dma_wait3A_49] : memref<100000x512xf32, #tpu.memory_space<hbm>> -> memref<40x512xf32, #tpu.memory_space<hbm>>
    %dma_wait3A_51 = arith.constant 0 : i32
    %dma_wait3A_52 = arith.constant 0 : i32
    %dma_wait3A_53 = tpu.memref_slice %arg4[%dma_wait3A_51, %dma_wait3A_52] : memref<100000x512xf32, #tpu.memory_space<hbm>> -> memref<40x512xf32, #tpu.memory_space<hbm>>
    tpu.wait_dma2 semaphore(%arg23 : memref<!tpu.dma_semaphore, #tpu.memory_space<semaphore_mem>>) src(%arg11 : memref<40x512xf32, #tpu.memory_space<vmem>>) dst(%dma_wait3A_53 : memref<40x512xf32, #tpu.memory_space<hbm>>)
    return
  }
}

</mosaic_0001>

<sc_bundles>
// kernel: kernel.3.cloned.1.call-start
scs
__scs_entry_jumppad:
0x0: {  	(pc) =	sbr.rel $0x88, $3  }
0x1: {  	(tag) =	ssettag $0x0;
	lr =	simm.s32 $0x1  }
0x2: {  	[smem:$0x3F9F] =	sst lr;
	_ =	strace $0xD0000000  }
0x3: {  	_ = 	snop  }
0x4: {  	_ = 	snop  }
0x5: {  	_ = 	snop  }
0x6: {  	_ = 	snop  }
0x7: {  	_ = 	snop  }
__scs_overlays_trampoline_lowered:
0x8: {  	[smem:$0x3FAE] =	sst s0  }
0x9: {  	[smem:$0x3FAF] =	sst s1  }
0xa: {  	[smem:$0x3FB0] =	sst s2  }
0xb: {  	[smem:$0x3FB1] =	sst s3  }
0xc: {  	[smem:$0x3FB2] =	sst s4  }
0xd: {  	[smem:$0x3FB3] =	sst s5  }
0xe: {  	[smem:$0x3FB4] =	sst s6  }
0xf: {  	[smem:$0x3FB5] =	sst s7  }
0x10: {  	[smem:$0x3FB6] =	sst s8  }
0x11: {  	[smem:$0x3FB7] =	sst s9;
	s0 =	simm.s32 @!p0 $0x0  }
0x12: {  	s1 =	sld [smem:$0x3F9D];
	s0 =	simm.s32 @p0 $0x1  }
0x13: {  	[smem:$0x3FB8] =	sst s0;
	s0 =	simm.s32 @!p1 $0x0  }
0x14: {  	s2 =	sld [smem:$0x3F9C];
	s0 =	simm.s32 @p1 $0x1  }
0x15: {  	[smem:$0x3FB9] =	sst s0;
	s0 =	simm.s32 @!p2 $0x0  }
0x16: {  	s3 =	sld [smem:$0x3FDB];
	s0 =	simm.s32 @p2 $0x1  }
0x17: {  	s4 =	simm.s32 $0x1BF5;
	[smem:$0x3FBB] =	sst s0  }
0x18: {  	s0 =	sld [smem:$0x3F9E];
	_ =	swait.ge [sflag:s4], $0x0  }
0x19: {  	s7 =	sld [smem:$0x3F9F]  }
0x1a: {  	s8 =	sadd.s32 $0xFFFFE003, lr  }
0x1b: {  	s9 =	sadd.s32 $0xFFFFFEF7, lr;
	s5 =	simm.s32 $0xFFFFFFFF;
	p2 =	slt.u32 s8, $0xFFFFF086  }
0x1c: {  	p1 =	slt.u32 s9, $0xF7A;
	s5 =	simm.s32 @!p2 $0x0  }
0x1d: {  	s5 =	simm.s32 @p1 $0x1;
	p0 =	seq.s32 s7, s2  }
0x1e: {  	s7 =	smul.u32 @!p0 $0xF7A, s2;
	p2 =	seq.s32 @!p0 s5, $0x0  }
0x1f: {  	s9 =	smul.u32 $0xF7A, s1;
	s8 =	simm.s32 @!p0 $0x1BF5;
	p2 =	por !p2, p0  }
0x20: {  	[sflag:s8] =	ssyncset.s32 @!p0 $0xFFFFF086;
	s6 =	sadd.s32 @!p0 s3, s7;
	s7 =	simm.s32 @!p0 $0x108  }
0x21: {  	s3 =	sadd.s32 s3, s9;
	s6 =	sadd.s32 @!p0 $0x88, s6;
	s7 =	simm.s32 @p2 $0x1082  }
0x22: {  	[simem:s7], [sflag:s8] =	dma.local @!p0 [hbm:s6], $0xF7A  }
0x23: {  	s9 =	sor.u32 $0xD0000000, s2;
	s6 =	simm.s32 $0x108;
	_ =	swait.ge @!p0 [sflag:s8], $0x0  }
0x24: {  	s3 =	sadd.s32 $0x88, s3;
	s6 =	simm.s32 @!p1 $0x1082;
	[sflag:s4] =	ssyncset.s32 $0xFFFFF086  }
0x25: {  	[simem:s6], [sflag:s4] =	dma.local [hbm:s3], $0xF7A  }
0x26: {  	[smem:$0x3F9F] =	sst s1;
	(tag) =	ssettag s2;
	_ =	strace s9  }
0x27: {  	s1 =	sld [smem:$0x3FAF]  }
0x28: {  	s2 =	sld [smem:$0x3FB0]  }
0x29: {  	s4 =	sld [smem:$0x3FB2]  }
0x2a: {  	p0 =	seq.s32 s5, $0x0;
	s5 =	sld [smem:$0x3FB3]  }
0x2b: {  	s6 =	sld [smem:$0x3FB4]  }
0x2c: {  	s7 =	sld [smem:$0x3FB5]  }
0x2d: {  	s3 =	simm.s32 $0x108;
	s8 =	sld [smem:$0x3FB6]  }
0x2e: {  	s3 =	simm.s32 @!p0 $0x1082;
	s9 =	sld [smem:$0x3FB7]  }
0x2f: {  	lr =	sadd.s32 s0, s3;
	s0 =	sld [smem:$0x3FAE]  }
0x30: {  	s3 =	sld [smem:$0x3FB1]  }
0x31: {  	[smem:$0x3FBA] =	sst s10  }
0x32: {  	s10 =	sld [smem:$0x3FB8];
	_ =	sdelay $0x3  }
0x33: {  	p0 =	seq.s32 s10, $0x1;
	s10 =	sld [smem:$0x3FBA];
	_ =	sdelay $0x3  }
0x34: {  	[smem:$0x3FBA] =	sst s10  }
0x35: {  	s10 =	sld [smem:$0x3FB9];
	_ =	sdelay $0x3  }
0x36: {  	p1 =	seq.s32 s10, $0x1;
	s10 =	sld [smem:$0x3FBA];
	_ =	sdelay $0x3  }
0x37: {  	[smem:$0x3FBA] =	sst s10  }
0x38: {  	s10 =	sld [smem:$0x3FBB]  }
0x39: {  	_ = 	snop;
	(pc) =	sbr.ind lr, $3  }
0x3a: {  	_ = 	snop  }
0x3b: {  	_ = 	snop  }
0x3c: {  	p2 =	seq.s32 s10, $0x1;
	s10 =	sld [smem:$0x3FBA]  }
0x3d: {  	_ =	shalt  }
0x3e: {  	_ =	shalt  }
0x3f: {  	_ =	shalt  }
0x40: {  	_ =	shalt  }
0x41: {  	_ =	shalt  }
0x42: {  	_ =	shalt  }
0x43: {  	_ =	shalt  }
0x44: {  	_ =	shalt  }
0x45: {  	_ =	shalt  }
0x46: {  	_ =	shalt  }
0x47: {  	_ =	shalt  }
0x48: {  	_ =	shalt  }
0x49: {  	_ =	shalt  }
0x4a: {  	_ =	shalt  }
0x4b: {  	_ =	shalt  }
0x4c: {  	_ =	shalt  }
0x4d: {  	_ =	shalt  }
0x4e: {  	_ =	shalt  }
0x4f: {  	_ =	shalt  }
0x50: {  	_ =	shalt  }
0x51: {  	_ =	shalt  }
0x52: {  	_ =	shalt  }
0x53: {  	_ =	shalt  }
0x54: {  	_ =	shalt  }
0x55: {  	_ =	shalt  }
0x56: {  	_ =	shalt  }
0x57: {  	_ =	shalt  }
0x58: {  	_ =	shalt  }
0x59: {  	_ =	shalt  }
0x5a: {  	_ =	shalt  }
0x5b: {  	_ =	shalt  }
0x5c: {  	_ =	shalt  }
0x5d: {  	_ =	shalt  }
0x5e: {  	_ =	shalt  }
0x5f: {  	_ =	shalt  }
0x60: {  	_ =	shalt  }
0x61: {  	_ =	shalt  }
0x62: {  	_ =	shalt  }
0x63: {  	_ =	shalt  }
0x64: {  	_ =	shalt  }
0x65: {  	_ =	shalt  }
0x66: {  	_ =	shalt  }
0x67: {  	_ =	shalt  }
0x68: {  	_ =	shalt  }
0x69: {  	_ =	shalt  }
0x6a: {  	_ =	shalt  }
0x6b: {  	_ =	shalt  }
0x6c: {  	_ =	shalt  }
0x6d: {  	_ =	shalt  }
0x6e: {  	_ =	shalt  }
0x6f: {  	_ =	shalt  }
0x70: {  	_ =	shalt  }
0x71: {  	_ =	shalt  }
0x72: {  	_ =	shalt  }
0x73: {  	_ =	shalt  }
0x74: {  	_ =	shalt  }
0x75: {  	_ =	shalt  }
0x76: {  	_ =	shalt  }
0x77: {  	_ =	shalt  }
0x78: {  	_ =	shalt  }
0x79: {  	_ =	shalt  }
0x7a: {  	_ =	shalt  }
0x7b: {  	_ =	shalt  }
0x7c: {  	_ =	shalt  }
0x7d: {  	_ =	shalt  }
0x7e: {  	_ =	shalt  }
0x7f: {  	_ =	shalt  }
0x80: {  	_ =	shalt  }
0x81: {  	_ =	shalt  }
0x82: {  	_ =	shalt  }
0x83: {  	_ =	shalt  }
0x84: {  	_ =	shalt  }
0x85: {  	_ =	shalt  }
0x86: {  	_ =	shalt  }
0x87: {  	_ =	shalt  }
.Lfunc_end0:
.L_simem_size_0:
called_computation_lowered:
.L_overlay_start_0:
0x88: {  	s2 =	sld [smem:$0x3FD9]  }
0x89: {  	s3 =	sld [smem:$0x3FFE];
	_ =	sdelay $0x1  }
0x8a: {  	s1 =	srdreg.scid  }
0x8b: {  	s0 =	sand.u32 $0x1, s1  }
0x8c: {  	s17 =	sshll.u32 s0, $0xA;
	s2 =	sadd.s32 s3, s2  }
0x8d: {  	s2 =	sadd.s32 s2, s17  }
0x8e: {  	[smem:$0x3FC6] =	sst s2  }
0x8f: {  	_ = 	snop  }
0x90: {  	s2 =	sld [smem:$0x3FC9]  }
0x91: {  	s18 =	sld [smem:$0x3FD0];
	(tm) =	ssettm $0x1  }
0x92: {  	s4 =	sld [smem:$0x3FFB];
	_ =	sdelay $0x3  }
0x93: {  	_ =	strace s4  }
0x94: {  	s4 =	sld [smem:$0x3FFC];
	_ =	sdelay $0x3  }
0x95: {  	_ =	strace s4  }
0x96: {  	s4 =	sld [smem:$0x3FFD];
	_ =	sdelay $0x3  }
0x97: {  	_ =	strace s4  }
0x98: {  	_ =	strace $0x8FFFFFFF  }
0x99: {  	s19 =	sld [smem:$0x3FDB];
	_ =	sdelay $0x1  }
0x9a: {  	s5 =	simm.s32 $_scs_section_size  }
0x9b: {  	s6 =	simm.s32 $_size__tile_overlayer_lowered;
	s7 =	simm.s32 $_tile_overlayer_lowered  }
0x9c: {  	s22 =	simm.s32 $0x1BFF;
	s21 =	sshll.u32 s7, $0x1;
	s4 =	sadd.s32 s5, s19  }
0x9d: {  	s8 =	simm.s32 $0x0;
	s20 =	sshll.u32 s6, $0x1;
	s6 =	sadd.s32 s21, s4  }
0x9e: {  	[timem:s8], [sflag:s22] =	dma.local [hbm:s6], s20  }
0x9f: {  	_ =	swait.ge [sflag:s22], s20  }
0xa0: {  	s5 =	ssub.s32 $0x0, s20;
	[sflag:s22] =	ssyncset.done $0x0  }
0xa1: {  	[sflag:s22] =	ssyncadd.s32 s5;
	_ =	sdelay $0x1  }
0xa2: {  	s23 =	simm.s32 $0x1B8B  }
0xa3: {  	_ =	swait.ge [sflag:s23], $0x1  }
0xa4: {  	[sflag:s23] =	ssyncset.done $0x0  }
0xa5: {  	s25 =	simm.s32 $0x1B8E;
	s24 =	sld [smem:$0x3FFE];
	[sflag:s23] =	ssyncadd.s32 $0xFFFFFFFF  }
0xa6: {  	s26 =	simm.s32 $execute0_lowered;
	[smem:$0x3FD2] =	sst s25  }
0xa7: {  	s6 =	sshll.u32 s26, $0x1;
	_ =	strace $0x80000046;
	[dreg:$0x1] =	wrdreg $0xFFFFFFFF  }
0xa8: {  	s28 =	simm.s32 $_size_execute0_lowered;
	s4 =	sadd.s32 s4, s6;
	[dreg:$0x0] =	wrdreg $0x0  }
0xa9: {  	s6 =	sshll.u32 s28, $0x1;
	[dreg:$0x2] =	wrdreg s4  }
0xaa: {  	[dreg:$0x3] =	wrdreg s6  }
0xab: {  	[dreg:$0x4] =	wrdreg $0xC0  }
0xac: {  	_ =	task [dreg:s8], $0x5FFFF  }
0xad: {  	[dreg:$0x1] =	wrdreg $0xFFFFFFFF  }
0xae: {  	[dreg:$0x0] =	wrdreg $0x60  }
0xaf: {  	[dreg:$0x2] =	wrdreg s2  }
0xb0: {  	[dreg:$0x3] =	wrdreg s24  }
0xb1: {  	[dreg:$0x4] =	wrdreg s18  }
0xb2: {  	[dreg:$0x5] =	wrdreg $0x9  }
0xb3: {  	_ =	task.clear_ibuf [dreg:s8], $0x6FFFF;
	_ =	strace $0x90000046  }
0xb4: {  	s29 =	simm.s32 $0x9;
	_ =	strace $0x80000048  }
0xb5: {  	_ =	swait.ge [sflag:s29], $0x1  }
0xb6: {  	[sflag:s29] =	ssyncadd.s32 $0xFFFFFFFF  }
0xb7: {  	_ =	strace $0x90000048  }
0xb8: {  	_ =	sfence  }
0xb9: {  	s30 =	sld [smem:$0x0];
	_ =	sdelay $0x2  }
0xba: {  	s31 =	sshll.u32 s1, $0xD;
	s1 =	sshrl.u32 s1, $0x2  }
0xbb: {  	s3 =	sand.u32 $0x4000, s31;
	s1 =	sadd.s32 s1, s30  }
0xbc: {  	s0 =	sor.u32 s3, s0;
	s1 =	sshll.u32 s1, $0x11  }
0xbd: {  	s0 =	sor.u32 s1, s0  }
0xbe: {  	s0 =	sadd.s32 $0x8F2B, s0  }
0xbf: {  	[sflag:s0] =	ssyncadd.remote.s32 $0x1  }
0xc0: {  	_ =	sfence.sel $0xFFFF  }
0xc1: {  	[dreg:$0x0] =	wrdreg $0xFFFFFFFF;
	(pc) =	sbr.abs _section_cstart, $3  }
0xc2: {  	[dreg:$0x1] =	wrdreg $0xFFFFFFFF  }
0xc3: {  	_ =	task.clear_ibuf [dreg:s8], $0x2FFFF;
	_ =	strace $0x9FFFFFFF  }
0xc4: {  	(tm) =	ssettm $0x7FFFFFFF  }
0xc5: {  	_ =	shalt  }
tec
execute0_lowered:
.L_overlay_start_1:
0x0: {  	(tag) =	ssettag $0x1  }
0x1: {  	s2 =	rddreg [dreg:$0x0]  }
0x2: {  	s0 =	srdreg.scid;
	s5 =	rddreg [dreg:$0x1]  }
0x3: {  	s10 =	stileid.u32;
	s6 =	rddreg [dreg:$0x2];
	s3 =	simm.s32 $0x0  }
0x4: {  	s13 =	simm.s32 $0x2480;
	s14 =	simm.s32 $0x2C80;
	s15 =	simm.s32 $0x3480  }
0x5: {  	s16 =	simm.s32 $0x3C80;
	s17 =	simm.s32 $0x4480;
	s18 =	simm.s32 $0x4C80  }
0x6: {  	s19 =	simm.s32 $0x5480;
	s20 =	simm.s32 $0x7;
	s21 =	simm.s32 $0x8  }
0x7: {  	s22 =	simm.s32 $0x9;
	s23 =	simm.s32 $0xA;
	s24 =	simm.s32 $0xB  }
0x8: {  	s25 =	simm.s32 $0xC;
	s26 =	simm.s32 $0x0;
	s0 =	sand.u32 $0x1, s0  }
0x9: {  	s1 =	sshll.u32 s10, $0x1;
	[smem:$0x7FF] =	sst s3;
	s9 =	smul.u32 $0x61800, s10  }
0xa: {  	s1 =	sor.u32 s0, s1;
	s7 =	ssub.s32 $0x2, s0;
	s0 =	smul.u32 $0x30C00, s0  }
0xb: {  	p0 =	slt.u32 s10, $0x2;
	_ =	strace $0x80000047;
	s4 =	smul.u32 $0x4E, s1  }
0xc: {  	s1 =	smin.u32 s1, $0x4;
	s31 =	sshrl.u32 s7, $0x1;
	s6 =	sadd.s32 s9, s6  }
0xd: {  	s9 =	simm.s32 $0xD;
	s4 =	sadd.s32 s1, s4;
	s1 =	smul.u32 $0xA00, s1  }
0xe: {  	v2 =	vlaneseq.u32;
	s7 =	ssub.s32 s7, s31;
	s0 =	sadd.s32 s0, s6;
	s8 =	smul.u32 $0x5, s4  }
0xf: {  	vm0 =	vmmov $0xffff;
	v1 =	vshrl.u32 v2, $0x3;
	s6 =	sadd.s32 $0x100, s2;
	s7 =	smax.u32 s7, $0x1;
	s4 =	simm.s32 $0x4F  }
0x10: {  	v0 =	vand.u32 $0x7, v2;
	v2 =	vor.u32 $0x8, v2;
	v1 =	vmul.u32 $0x8, v1;
	s4 =	simm.s32 @!p0 $0x4E;
	s5 =	sadd.s32 s5, s8;
	s8 =	sadd.s32 s1, s0  }
.LBB2_1:
0x11: {  	[tilespmem:s3], [sflag:$0xD] =	stream.linear.gather [hbm4b:s5+s3], $0xC58, $0x38;
	[tilespmem:$0x1EC80] =	vst v63  }
0x12: {  	_ =	swait.ge [sflag:s9], $0xC58  }
0x13: {  	[sflag:s9] =	ssyncset.done $0x0  }
0x14: {  	[sflag:s9] =	ssyncadd.s32 $0xFFFFF3A8  }
0x15: {  	v3 =	vld [tilespmem:$0x0];
	_ =	sdelay $0x4  }
0x16: {  	v4 =	vshll.u32 v3, $0x2  }
0x17: {  	v3 =	vand.u32 $0x7, v3;
	v4 =	vand.u32 $0xFFFFFFE0, v4  }
0x18: {  	v3 =	vor.u32 v3, v4  }
0x19: {  	v4 =	vperm.xlane v3, v0;
	_ =	sdelay $0x1  }
0x1a: {  	v4 =	vadd.s32 v1, v4;
	_ =	sdelay $0x1  }
0x1b: {  	v3 =	vperm.xlane v3, v2;
	_ =	sdelay $0x1  }
0x1c: {  	s0 =	simm.s32 $0xC80;
	v3 =	vadd.s32 v1, v3  }
0x1d: {  	[tilespmem:s0], [sflag:$0x1] =	stream.indirect_vreg.gather [hbm4b:s2+s3], $0x80, v4, vm0, $0xb8;
	[tilespmem:$0x1EC80] =	vst v63  }
0x1e: {  	s12 =	simm.s32 $0x1480  }
0x1f: {  	[tilespmem:s12], [sflag:$0x1] =	stream.indirect_vreg.gather [hbm4b:s6+s3], $0x80, v4, vm0, $0xb8;
	[tilespmem:$0x1EC80] =	vst v63  }
0x20: {  	s31 =	simm.s32 $0x1C80  }
0x21: {  	[tilespmem:s31], [sflag:$0x1] =	stream.indirect_vreg.gather [hbm4b:s2+s3], $0x80, v3, vm0, $0xb8;
	[tilespmem:$0x1EC80] =	vst v63  }
0x22: {  	_ = 	snop  }
0x23: {  	[tilespmem:s13], [sflag:$0x1] =	stream.indirect_vreg.gather [hbm4b:s6+s3], $0x80, v3, vm0, $0xb8;
	[tilespmem:$0x1EC80] =	vst v63  }
0x24: {  	v3 =	vld [tilespmem:$0x10];
	_ =	sdelay $0x4  }
0x25: {  	v62 =	vshll.u32 v3, $0x2  }
0x26: {  	v3 =	vand.u32 $0x7, v3;
	v4 =	vand.u32 $0xFFFFFFE0, v62  }
0x27: {  	v3 =	vor.u32 v3, v4  }
0x28: {  	v4 =	vperm.xlane v3, v0;
	_ =	sdelay $0x1  }
0x29: {  	v4 =	vadd.s32 v1, v4;
	_ =	sdelay $0x1  }
0x2a: {  	v3 =	vperm.xlane v3, v2;
	_ =	sdelay $0x1  }
0x2b: {  	v3 =	vadd.s32 v1, v3  }
0x2c: {  	[tilespmem:s14], [sflag:$0x1] =	stream.indirect_vreg.gather [hbm4b:s2+s3], $0x80, v4, vm0, $0xb8;
	[tilespmem:$0x1EC80] =	vst v63  }
0x2d: {  	_ = 	snop  }
0x2e: {  	[tilespmem:s15], [sflag:$0x1] =	stream.indirect_vreg.gather [hbm4b:s6+s3], $0x80, v4, vm0, $0xb8;
	[tilespmem:$0x1EC80] =	vst v63  }
0x2f: {  	_ = 	snop  }
0x30: {  	[tilespmem:s16], [sflag:$0x1] =	stream.indirect_vreg.gather [hbm4b:s2+s3], $0x80, v3, vm0, $0xb8;
	[tilespmem:$0x1EC80] =	vst v63  }
0x31: {  	_ = 	snop  }
0x32: {  	[tilespmem:s17], [sflag:$0x1] =	stream.indirect_vreg.gather [hbm4b:s6+s3], $0x80, v3, vm0, $0xb8;
	[tilespmem:$0x1EC80] =	vst v63  }
0x33: {  	v3 =	vld.msk [tilespmem:$0x20], $0xff;
	_ =	sdelay $0x4  }
0x34: {  	v63 =	vshll.u32 v3, $0x2  }
0x35: {  	v3 =	vand.u32 $0x7, v3;
	v4 =	vand.u32 $0xFFFFFFE0, v63  }
0x36: {  	v3 =	vor.u32 v3, v4  }
0x37: {  	v3 =	vperm.xlane v3, v0;
	_ =	sdelay $0x1  }
0x38: {  	v3 =	vadd.s32 v1, v3;
	_ =	sdelay $0x4  }
0x39: {  	[tilespmem:s18], [sflag:$0x1] =	stream.indirect_vreg.gather [hbm4b:s2+s3], $0x80, v3, vm0, $0xb8;
	[tilespmem:$0x1EC80] =	vst v63  }
0x3a: {  	s28 =	simm.s32 $0x6;
	s29 =	simm.s32 $0x88;
	s30 =	simm.s32 $0x0  }
0x3b: {  	[tilespmem:s19], [sflag:$0x1] =	stream.indirect_vreg.gather [hbm4b:s6+s3], $0x80, v3, vm0, $0xb8;
	[tilespmem:$0x1EC80] =	vst v63  }
.LBB2_2:
0x3c: {  	s0 =	sadd.s32 $0xFFFFFFFB, s28;
	p0 =	seq.s32 s28, $0x6  }
0x3d: {  	p1 =	sge.u32 @!p0 s0, s4  }
0x3e: {  	p1 =	por p1, p0  }
0x3f: {  	s1 =	simm.s32 @!p1 $0x8  }
0x40: {  	_ =	swait.ge @!p1 [sflag:s1], $0x5000  }
0x41: {  	[sflag:s1] =	ssyncset.done @!p1 $0x0  }
0x42: {  	[sflag:s1] =	ssyncadd.s32 @!p1 $0xFFFFB000;
	p1 =	sge.u32 s0, s4  }
0x43: {  	v3 =	vld @!p1 [tilespmem:s29+$0xFFFFFFA0];
	_ =	sdelay $0x4  }
0x44: {  	v4 =	vshll.u32 @!p1 v3, $0x2  }
0x45: {  	v5 =	vlaneseq.u32 @!p1;
	v3 =	vand.u32 @!p1 $0x7, v3;
	v4 =	vand.u32 @!p1 $0xFFFFFFE0, v4  }
0x46: {  	v6 =	vshrl.u32 @!p1 v5, $0x3;
	v3 =	vor.u32 @!p1 v3, v4;
	v4 =	vand.u32 @!p1 $0x7, v5  }
0x47: {  	v6 =	vmul.u32 @!p1 $0x8, v6;
	v7 =	vperm.xlane @!p1 v3, v4;
	_ =	sdelay $0x1  }
0x48: {  	v7 =	vadd.s32 @!p1 v6, v7  }
0x49: {  	v5 =	vor.u32 @!p1 $0x8, v5  }
0x4a: {  	v3 =	vperm.xlane @!p1 v3, v5;
	_ =	sdelay $0x1  }
0x4b: {  	vm1 =	vmmov @!p1 $0xffff;
	s31 =	simm.s32 @!p1 $0x0;
	s1 =	simm.s32 @!p1 $0x5C80;
	v3 =	vadd.s32 @!p1 v6, v3  }
0x4c: {  	[tilespmem:s1], [sflag:$0x2] =	stream.indirect_vreg.gather @!p1 [hbm4b:s2+s31], $0x80, v7, vm1, $0xb8;
	[tilespmem:$0x1EC80] =	vst v63  }
0x4d: {  	s0 =	simm.s32 @!p1 $0x6480  }
0x4e: {  	[tilespmem:s0], [sflag:$0x2] =	stream.indirect_vreg.gather @!p1 [hbm4b:s6+s31], $0x80, v7, vm1, $0xb8;
	[tilespmem:$0x1EC80] =	vst v63  }
0x4f: {  	s0 =	simm.s32 @!p1 $0x6C80  }
0x50: {  	[tilespmem:s0], [sflag:$0x2] =	stream.indirect_vreg.gather @!p1 [hbm4b:s2+s31], $0x80, v3, vm1, $0xb8;
	[tilespmem:$0x1EC80] =	vst v63  }
0x51: {  	s0 =	simm.s32 @!p1 $0x7480  }
0x52: {  	[tilespmem:s0], [sflag:$0x2] =	stream.indirect_vreg.gather @!p1 [hbm4b:s6+s31], $0x80, v3, vm1, $0xb8;
	[tilespmem:$0x1EC80] =	vst v63  }
0x53: {  	v3 =	vld @!p1 [tilespmem:s29+$0xFFFFFFB0];
	_ =	sdelay $0x4  }
0x54: {  	v7 =	vshll.u32 @!p1 v3, $0x2  }
0x55: {  	v3 =	vand.u32 @!p1 $0x7, v3;
	v7 =	vand.u32 @!p1 $0xFFFFFFE0, v7  }
0x56: {  	v3 =	vor.u32 @!p1 v3, v7  }
0x57: {  	v7 =	vperm.xlane @!p1 v3, v4;
	_ =	sdelay $0x1  }
0x58: {  	v7 =	vadd.s32 @!p1 v6, v7;
	_ =	sdelay $0x1  }
0x59: {  	v3 =	vperm.xlane @!p1 v3, v5;
	_ =	sdelay $0x1  }
0x5a: {  	s0 =	simm.s32 @!p1 $0x7C80;
	v3 =	vadd.s32 @!p1 v6, v3  }
0x5b: {  	[tilespmem:s0], [sflag:$0x2] =	stream.indirect_vreg.gather @!p1 [hbm4b:s2+s31], $0x80, v7, vm1, $0xb8;
	[tilespmem:$0x1EC80] =	vst v63  }
0x5c: {  	s0 =	simm.s32 @!p1 $0x8480  }
0x5d: {  	[tilespmem:s0], [sflag:$0x2] =	stream.indirect_vreg.gather @!p1 [hbm4b:s6+s31], $0x80, v7, vm1, $0xb8;
	[tilespmem:$0x1EC80] =	vst v63  }
0x5e: {  	s0 =	simm.s32 @!p1 $0x8C80  }
0x5f: {  	[tilespmem:s0], [sflag:$0x2] =	stream.indirect_vreg.gather @!p1 [hbm4b:s2+s31], $0x80, v3, vm1, $0xb8;
	[tilespmem:$0x1EC80] =	vst v63  }
0x60: {  	s0 =	simm.s32 @!p1 $0x9480  }
0x61: {  	[tilespmem:s0], [sflag:$0x2] =	stream.indirect_vreg.gather @!p1 [hbm4b:s6+s31], $0x80, v3, vm1, $0xb8;
	[tilespmem:$0x1EC80] =	vst v63  }
0x62: {  	v3 =	vld.msk @!p1 [tilespmem:s29+$0xFFFFFFC0], $0xff;
	_ =	sdelay $0x4  }
0x63: {  	v5 =	vshll.u32 @!p1 v3, $0x2  }
0x64: {  	v3 =	vand.u32 @!p1 $0x7, v3;
	v5 =	vand.u32 @!p1 $0xFFFFFFE0, v5  }
0x65: {  	v3 =	vor.u32 @!p1 v3, v5  }
0x66: {  	v3 =	vperm.xlane @!p1 v3, v4;
	_ =	sdelay $0x1  }
0x67: {  	v3 =	vadd.s32 @!p1 v6, v3;
	_ =	sdelay $0x2  }
0x68: {  	s12 =	sadd.s32 $0xFFFFFFFA, s28  }
0x69: {  	p2 =	sge.u32 s12, s4;
	s0 =	simm.s32 @!p1 $0x9C80  }
0x6a: {  	[tilespmem:s0], [sflag:$0x2] =	stream.indirect_vreg.gather @!p1 [hbm4b:s2+s31], $0x80, v3, vm1, $0xb8;
	[tilespmem:$0x1EC80] =	vst v63  }
0x6b: {  	s10 =	simm.s32 @!p1 $0xA480;
	s0 =	simm.s32 @!p2 $0x1  }
0x6c: {  	[tilespmem:s10], [sflag:$0x2] =	stream.indirect_vreg.gather @!p1 [hbm4b:s6+s31], $0x80, v3, vm1, $0xb8;
	[tilespmem:$0x1EC80] =	vst v63  }
0x6d: {  	_ =	swait.ge @!p2 [sflag:s0], $0x5000  }
0x6e: {  	s11 =	simm.s32 @!p2 $0xC80;
	[sflag:s0] =	ssyncset.done @!p2 $0x0  }
0x6f: {  	s10 =	simm.s32 @!p2 $0x0;
	[sflag:s0] =	ssyncadd.s32 @!p2 $0xFFFFB000;
	s0 =	sadd.s32 @!p2 s30, s8  }
0x70: {  	[hbm4b:s0+s10] =	stream.linear.scatter @!p2 [tilespmem:s11], [sflag:$0x7], $0x5000, $0x38;
	[tilespmem:$0x1EC80] =	vst v63  }
0x71: {  	s0 =	sadd.s32 $0xFFFFFFFC, s28  }
0x72: {  	p2 =	sge.u32 @!p0 s0, s4  }
0x73: {  	p2 =	por p2, p0  }
0x74: {  	s10 =	simm.s32 @!p2 $0x9  }
0x75: {  	_ =	swait.ge @!p2 [sflag:s10], $0x5000  }
0x76: {  	[sflag:s10] =	ssyncset.done @!p2 $0x0  }
0x77: {  	[sflag:s10] =	ssyncadd.s32 @!p2 $0xFFFFB000;
	p2 =	sge.u32 s0, s4  }
0x78: {  	v3 =	vld @!p2 [tilespmem:s29+$0xFFFFFFC8];
	_ =	sdelay $0x4  }
0x79: {  	v4 =	vshll.u32 @!p2 v3, $0x2  }
0x7a: {  	v5 =	vlaneseq.u32 @!p2;
	v3 =	vand.u32 @!p2 $0x7, v3;
	v4 =	vand.u32 @!p2 $0xFFFFFFE0, v4  }
0x7b: {  	v6 =	vshrl.u32 @!p2 v5, $0x3;
	v3 =	vor.u32 @!p2 v3, v4;
	v4 =	vand.u32 @!p2 $0x7, v5  }
0x7c: {  	v6 =	vmul.u32 @!p2 $0x8, v6;
	v7 =	vperm.xlane @!p2 v3, v4;
	_ =	sdelay $0x1  }
0x7d: {  	v7 =	vadd.s32 @!p2 v6, v7  }
0x7e: {  	v5 =	vor.u32 @!p2 $0x8, v5  }
0x7f: {  	v3 =	vperm.xlane @!p2 v3, v5;
	_ =	sdelay $0x1  }
0x80: {  	vm1 =	vmmov @!p2 $0xffff;
	s0 =	simm.s32 @!p2 $0x0;
	s10 =	simm.s32 @!p2 $0xAC80;
	v3 =	vadd.s32 @!p2 v6, v3  }
0x81: {  	[tilespmem:s10], [sflag:$0x3] =	stream.indirect_vreg.gather @!p2 [hbm4b:s2+s0], $0x80, v7, vm1, $0xb8;
	[tilespmem:$0x1EC80] =	vst v63  }
0x82: {  	s11 =	simm.s32 @!p2 $0xB480  }
0x83: {  	[tilespmem:s11], [sflag:$0x3] =	stream.indirect_vreg.gather @!p2 [hbm4b:s6+s0], $0x80, v7, vm1, $0xb8;
	[tilespmem:$0x1EC80] =	vst v63  }
0x84: {  	s11 =	simm.s32 @!p2 $0xBC80  }
0x85: {  	[tilespmem:s11], [sflag:$0x3] =	stream.indirect_vreg.gather @!p2 [hbm4b:s2+s0], $0x80, v3, vm1, $0xb8;
	[tilespmem:$0x1EC80] =	vst v63  }
0x86: {  	s11 =	simm.s32 @!p2 $0xC480  }
0x87: {  	[tilespmem:s11], [sflag:$0x3] =	stream.indirect_vreg.gather @!p2 [hbm4b:s6+s0], $0x80, v3, vm1, $0xb8;
	[tilespmem:$0x1EC80] =	vst v63  }
0x88: {  	v3 =	vld @!p2 [tilespmem:s29+$0xFFFFFFD8];
	_ =	sdelay $0x4  }
0x89: {  	v7 =	vshll.u32 @!p2 v3, $0x2  }
0x8a: {  	v3 =	vand.u32 @!p2 $0x7, v3;
	v7 =	vand.u32 @!p2 $0xFFFFFFE0, v7  }
0x8b: {  	v3 =	vor.u32 @!p2 v3, v7  }
0x8c: {  	v7 =	vperm.xlane @!p2 v3, v4;
	_ =	sdelay $0x1  }
0x8d: {  	v7 =	vadd.s32 @!p2 v6, v7;
	_ =	sdelay $0x1  }
0x8e: {  	v3 =	vperm.xlane @!p2 v3, v5;
	_ =	sdelay $0x1  }
0x8f: {  	s11 =	simm.s32 @!p2 $0xCC80;
	v3 =	vadd.s32 @!p2 v6, v3  }
0x90: {  	[tilespmem:s11], [sflag:$0x3] =	stream.indirect_vreg.gather @!p2 [hbm4b:s2+s0], $0x80, v7, vm1, $0xb8;
	[tilespmem:$0x1EC80] =	vst v63  }
0x91: {  	s11 =	simm.s32 @!p2 $0xD480  }
0x92: {  	[tilespmem:s11], [sflag:$0x3] =	stream.indirect_vreg.gather @!p2 [hbm4b:s6+s0], $0x80, v7, vm1, $0xb8;
	[tilespmem:$0x1EC80] =	vst v63  }
0x93: {  	s11 =	simm.s32 @!p2 $0xDC80  }
0x94: {  	[tilespmem:s11], [sflag:$0x3] =	stream.indirect_vreg.gather @!p2 [hbm4b:s2+s0], $0x80, v3, vm1, $0xb8;
	[tilespmem:$0x1EC80] =	vst v63  }
0x95: {  	s11 =	simm.s32 @!p2 $0xE480  }
0x96: {  	[tilespmem:s11], [sflag:$0x3] =	stream.indirect_vreg.gather @!p2 [hbm4b:s6+s0], $0x80, v3, vm1, $0xb8;
	[tilespmem:$0x1EC80] =	vst v63  }
0x97: {  	v3 =	vld.msk @!p2 [tilespmem:s29+$0xFFFFFFE8], $0xff;
	_ =	sdelay $0x4  }
0x98: {  	v5 =	vshll.u32 @!p2 v3, $0x2  }
0x99: {  	v3 =	vand.u32 @!p2 $0x7, v3;
	v5 =	vand.u32 @!p2 $0xFFFFFFE0, v5  }
0x9a: {  	v3 =	vor.u32 @!p2 v3, v5  }
0x9b: {  	v3 =	vperm.xlane @!p2 v3, v4;
	_ =	sdelay $0x1  }
0x9c: {  	v3 =	vadd.s32 @!p2 v6, v3;
	_ =	sdelay $0x3  }
0x9d: {  	s11 =	simm.s32 @!p2 $0xEC80  }
0x9e: {  	[tilespmem:s11], [sflag:$0x3] =	stream.indirect_vreg.gather @!p2 [hbm4b:s2+s0], $0x80, v3, vm1, $0xb8;
	[tilespmem:$0x1EC80] =	vst v63  }
0x9f: {  	s11 =	simm.s32 @!p2 $0xF480  }
0xa0: {  	[tilespmem:s11], [sflag:$0x3] =	stream.indirect_vreg.gather @!p2 [hbm4b:s6+s0], $0x80, v3, vm1, $0xb8;
	[tilespmem:$0x1EC80] =	vst v63  }
0xa1: {  	s11 =	simm.s32 @!p1 $0x2  }
0xa2: {  	_ =	swait.ge @!p1 [sflag:s11], $0x5000  }
0xa3: {  	s12 =	sadd.s32 @!p1 s30, s8;
	[sflag:s11] =	ssyncset.done @!p1 $0x0  }
0xa4: {  	[sflag:s11] =	ssyncadd.s32 @!p1 $0xFFFFB000;
	s11 =	sadd.s32 @!p1 $0xA00, s12  }
0xa5: {  	[hbm4b:s11+s31] =	stream.linear.scatter @!p1 [tilespmem:s1], [sflag:$0x8], $0x5000, $0x38;
	[tilespmem:$0x1EC80] =	vst v63  }
0xa6: {  	s1 =	sadd.s32 $0xFFFFFFFD, s28  }
0xa7: {  	p1 =	sge.u32 @!p0 s1, s4  }
0xa8: {  	p1 =	por p1, p0  }
0xa9: {  	s11 =	simm.s32 @!p1 $0xA  }
0xaa: {  	_ =	swait.ge @!p1 [sflag:s11], $0x5000  }
0xab: {  	[sflag:s11] =	ssyncset.done @!p1 $0x0  }
0xac: {  	[sflag:s11] =	ssyncadd.s32 @!p1 $0xFFFFB000;
	p1 =	sge.u32 s1, s4  }
0xad: {  	v3 =	vld @!p1 [tilespmem:s29+$0xFFFFFFF0];
	_ =	sdelay $0x4  }
0xae: {  	v4 =	vshll.u32 @!p1 v3, $0x2  }
0xaf: {  	v5 =	vlaneseq.u32 @!p1;
	v3 =	vand.u32 @!p1 $0x7, v3;
	v4 =	vand.u32 @!p1 $0xFFFFFFE0, v4  }
0xb0: {  	v6 =	vshrl.u32 @!p1 v5, $0x3;
	v3 =	vor.u32 @!p1 v3, v4;
	v4 =	vand.u32 @!p1 $0x7, v5  }
0xb1: {  	v6 =	vmul.u32 @!p1 $0x8, v6;
	v7 =	vperm.xlane @!p1 v3, v4;
	_ =	sdelay $0x1  }
0xb2: {  	v7 =	vadd.s32 @!p1 v6, v7  }
0xb3: {  	v5 =	vor.u32 @!p1 $0x8, v5  }
0xb4: {  	v3 =	vperm.xlane @!p1 v3, v5;
	_ =	sdelay $0x1  }
0xb5: {  	vm1 =	vmmov @!p1 $0xffff;
	s1 =	simm.s32 @!p1 $0x0;
	s31 =	simm.s32 @!p1 $0xFC80;
	v3 =	vadd.s32 @!p1 v6, v3  }
0xb6: {  	[tilespmem:s31], [sflag:$0x4] =	stream.indirect_vreg.gather @!p1 [hbm4b:s2+s1], $0x80, v7, vm1, $0xb8;
	[tilespmem:$0x1EC80] =	vst v63  }
0xb7: {  	s11 =	simm.s32 @!p1 $0x10480  }
0xb8: {  	[tilespmem:s11], [sflag:$0x4] =	stream.indirect_vreg.gather @!p1 [hbm4b:s6+s1], $0x80, v7, vm1, $0xb8;
	[tilespmem:$0x1EC80] =	vst v63  }
0xb9: {  	s11 =	simm.s32 @!p1 $0x10C80  }
0xba: {  	[tilespmem:s11], [sflag:$0x4] =	stream.indirect_vreg.gather @!p1 [hbm4b:s2+s1], $0x80, v3, vm1, $0xb8;
	[tilespmem:$0x1EC80] =	vst v63  }
0xbb: {  	s11 =	simm.s32 @!p1 $0x11480  }
0xbc: {  	[tilespmem:s11], [sflag:$0x4] =	stream.indirect_vreg.gather @!p1 [hbm4b:s6+s1], $0x80, v3, vm1, $0xb8;
	[tilespmem:$0x1EC80] =	vst v63  }
0xbd: {  	v3 =	vld @!p1 [tilespmem:s29+$0x0];
	_ =	sdelay $0x4  }
0xbe: {  	v7 =	vshll.u32 @!p1 v3, $0x2  }
0xbf: {  	v3 =	vand.u32 @!p1 $0x7, v3;
	v7 =	vand.u32 @!p1 $0xFFFFFFE0, v7  }
0xc0: {  	v3 =	vor.u32 @!p1 v3, v7  }
0xc1: {  	v7 =	vperm.xlane @!p1 v3, v4;
	_ =	sdelay $0x1  }
0xc2: {  	v7 =	vadd.s32 @!p1 v6, v7;
	_ =	sdelay $0x1  }
0xc3: {  	v3 =	vperm.xlane @!p1 v3, v5;
	_ =	sdelay $0x1  }
0xc4: {  	s11 =	simm.s32 @!p1 $0x11C80;
	v3 =	vadd.s32 @!p1 v6, v3  }
0xc5: {  	[tilespmem:s11], [sflag:$0x4] =	stream.indirect_vreg.gather @!p1 [hbm4b:s2+s1], $0x80, v7, vm1, $0xb8;
	[tilespmem:$0x1EC80] =	vst v63  }
0xc6: {  	s11 =	simm.s32 @!p1 $0x12480  }
0xc7: {  	[tilespmem:s11], [sflag:$0x4] =	stream.indirect_vreg.gather @!p1 [hbm4b:s6+s1], $0x80, v7, vm1, $0xb8;
	[tilespmem:$0x1EC80] =	vst v63  }
0xc8: {  	s11 =	simm.s32 @!p1 $0x12C80  }
0xc9: {  	[tilespmem:s11], [sflag:$0x4] =	stream.indirect_vreg.gather @!p1 [hbm4b:s2+s1], $0x80, v3, vm1, $0xb8;
	[tilespmem:$0x1EC80] =	vst v63  }
0xca: {  	s11 =	simm.s32 @!p1 $0x13480  }
0xcb: {  	[tilespmem:s11], [sflag:$0x4] =	stream.indirect_vreg.gather @!p1 [hbm4b:s6+s1], $0x80, v3, vm1, $0xb8;
	[tilespmem:$0x1EC80] =	vst v63  }
0xcc: {  	v3 =	vld.msk @!p1 [tilespmem:s29+$0x10], $0xff;
	_ =	sdelay $0x4  }
0xcd: {  	v5 =	vshll.u32 @!p1 v3, $0x2  }
0xce: {  	v3 =	vand.u32 @!p1 $0x7, v3;
	v5 =	vand.u32 @!p1 $0xFFFFFFE0, v5  }
0xcf: {  	v3 =	vor.u32 @!p1 v3, v5  }
0xd0: {  	v3 =	vperm.xlane @!p1 v3, v4;
	_ =	sdelay $0x1  }
0xd1: {  	v3 =	vadd.s32 @!p1 v6, v3;
	_ =	sdelay $0x3  }
0xd2: {  	s11 =	simm.s32 @!p1 $0x13C80  }
0xd3: {  	[tilespmem:s11], [sflag:$0x4] =	stream.indirect_vreg.gather @!p1 [hbm4b:s2+s1], $0x80, v3, vm1, $0xb8;
	[tilespmem:$0x1EC80] =	vst v63  }
0xd4: {  	s11 =	simm.s32 @!p1 $0x14480  }
0xd5: {  	[tilespmem:s11], [sflag:$0x4] =	stream.indirect_vreg.gather @!p1 [hbm4b:s6+s1], $0x80, v3, vm1, $0xb8;
	[tilespmem:$0x1EC80] =	vst v63  }
0xd6: {  	s11 =	simm.s32 @!p2 $0x3  }
0xd7: {  	_ =	swait.ge @!p2 [sflag:s11], $0x5000  }
0xd8: {  	s12 =	sadd.s32 @!p2 s30, s8;
	[sflag:s11] =	ssyncset.done @!p2 $0x0  }
0xd9: {  	[sflag:s11] =	ssyncadd.s32 @!p2 $0xFFFFB000;
	s11 =	sadd.s32 @!p2 $0x1400, s12  }
0xda: {  	[hbm4b:s11+s0] =	stream.linear.scatter @!p2 [tilespmem:s10], [sflag:$0x9], $0x5000, $0x38;
	[tilespmem:$0x1EC80] =	vst v63  }
0xdb: {  	s0 =	sadd.s32 $0xFFFFFFFE, s28  }
0xdc: {  	p2 =	sge.u32 @!p0 s0, s4  }
0xdd: {  	p2 =	por p2, p0  }
0xde: {  	s10 =	simm.s32 @!p2 $0xB  }
0xdf: {  	_ =	swait.ge @!p2 [sflag:s10], $0x5000  }
0xe0: {  	[sflag:s10] =	ssyncset.done @!p2 $0x0  }
0xe1: {  	[sflag:s10] =	ssyncadd.s32 @!p2 $0xFFFFB000;
	p2 =	sge.u32 s0, s4  }
0xe2: {  	v3 =	vld @!p2 [tilespmem:s29+$0x18];
	_ =	sdelay $0x4  }
0xe3: {  	v4 =	vshll.u32 @!p2 v3, $0x2  }
0xe4: {  	v5 =	vlaneseq.u32 @!p2;
	v3 =	vand.u32 @!p2 $0x7, v3;
	v4 =	vand.u32 @!p2 $0xFFFFFFE0, v4  }
0xe5: {  	v6 =	vshrl.u32 @!p2 v5, $0x3;
	v3 =	vor.u32 @!p2 v3, v4;
	v4 =	vand.u32 @!p2 $0x7, v5  }
0xe6: {  	v6 =	vmul.u32 @!p2 $0x8, v6;
	v7 =	vperm.xlane @!p2 v3, v4;
	_ =	sdelay $0x1  }
0xe7: {  	v7 =	vadd.s32 @!p2 v6, v7  }
0xe8: {  	v5 =	vor.u32 @!p2 $0x8, v5  }
0xe9: {  	v3 =	vperm.xlane @!p2 v3, v5;
	_ =	sdelay $0x1  }
0xea: {  	vm1 =	vmmov @!p2 $0xffff;
	s0 =	simm.s32 @!p2 $0x0;
	s10 =	simm.s32 @!p2 $0x14C80;
	v3 =	vadd.s32 @!p2 v6, v3  }
0xeb: {  	[tilespmem:s10], [sflag:$0x5] =	stream.indirect_vreg.gather @!p2 [hbm4b:s2+s0], $0x80, v7, vm1, $0xb8;
	[tilespmem:$0x1EC80] =	vst v63  }
0xec: {  	s11 =	simm.s32 @!p2 $0x15480  }
0xed: {  	[tilespmem:s11], [sflag:$0x5] =	stream.indirect_vreg.gather @!p2 [hbm4b:s6+s0], $0x80, v7, vm1, $0xb8;
	[tilespmem:$0x1EC80] =	vst v63  }
0xee: {  	s11 =	simm.s32 @!p2 $0x15C80  }
0xef: {  	[tilespmem:s11], [sflag:$0x5] =	stream.indirect_vreg.gather @!p2 [hbm4b:s2+s0], $0x80, v3, vm1, $0xb8;
	[tilespmem:$0x1EC80] =	vst v63  }
0xf0: {  	s11 =	simm.s32 @!p2 $0x16480  }
0xf1: {  	[tilespmem:s11], [sflag:$0x5] =	stream.indirect_vreg.gather @!p2 [hbm4b:s6+s0], $0x80, v3, vm1, $0xb8;
	[tilespmem:$0x1EC80] =	vst v63  }
0xf2: {  	v3 =	vld @!p2 [tilespmem:s29+$0x28];
	_ =	sdelay $0x4  }
0xf3: {  	v7 =	vshll.u32 @!p2 v3, $0x2  }
0xf4: {  	v3 =	vand.u32 @!p2 $0x7, v3;
	v7 =	vand.u32 @!p2 $0xFFFFFFE0, v7  }
0xf5: {  	v3 =	vor.u32 @!p2 v3, v7  }
0xf6: {  	v7 =	vperm.xlane @!p2 v3, v4;
	_ =	sdelay $0x1  }
0xf7: {  	v7 =	vadd.s32 @!p2 v6, v7;
	_ =	sdelay $0x1  }
0xf8: {  	v3 =	vperm.xlane @!p2 v3, v5;
	_ =	sdelay $0x1  }
0xf9: {  	s11 =	simm.s32 @!p2 $0x16C80;
	v3 =	vadd.s32 @!p2 v6, v3  }
0xfa: {  	[tilespmem:s11], [sflag:$0x5] =	stream.indirect_vreg.gather @!p2 [hbm4b:s2+s0], $0x80, v7, vm1, $0xb8;
	[tilespmem:$0x1EC80] =	vst v63  }
0xfb: {  	s11 =	simm.s32 @!p2 $0x17480  }
0xfc: {  	[tilespmem:s11], [sflag:$0x5] =	stream.indirect_vreg.gather @!p2 [hbm4b:s6+s0], $0x80, v7, vm1, $0xb8;
	[tilespmem:$0x1EC80] =	vst v63  }
0xfd: {  	s11 =	simm.s32 @!p2 $0x17C80  }
0xfe: {  	[tilespmem:s11], [sflag:$0x5] =	stream.indirect_vreg.gather @!p2 [hbm4b:s2+s0], $0x80, v3, vm1, $0xb8;
	[tilespmem:$0x1EC80] =	vst v63  }
0xff: {  	s11 =	simm.s32 @!p2 $0x18480  }
0x100: {  	[tilespmem:s11], [sflag:$0x5] =	stream.indirect_vreg.gather @!p2 [hbm4b:s6+s0], $0x80, v3, vm1, $0xb8;
	[tilespmem:$0x1EC80] =	vst v63  }
0x101: {  	v3 =	vld.msk @!p2 [tilespmem:s29+$0x38], $0xff;
	_ =	sdelay $0x4  }
0x102: {  	v5 =	vshll.u32 @!p2 v3, $0x2  }
0x103: {  	v3 =	vand.u32 @!p2 $0x7, v3;
	v5 =	vand.u32 @!p2 $0xFFFFFFE0, v5  }
0x104: {  	v3 =	vor.u32 @!p2 v3, v5  }
0x105: {  	v3 =	vperm.xlane @!p2 v3, v4;
	_ =	sdelay $0x1  }
0x106: {  	v3 =	vadd.s32 @!p2 v6, v3;
	_ =	sdelay $0x3  }
0x107: {  	s11 =	simm.s32 @!p2 $0x18C80  }
0x108: {  	[tilespmem:s11], [sflag:$0x5] =	stream.indirect_vreg.gather @!p2 [hbm4b:s2+s0], $0x80, v3, vm1, $0xb8;
	[tilespmem:$0x1EC80] =	vst v63  }
0x109: {  	s11 =	simm.s32 @!p2 $0x19480  }
0x10a: {  	[tilespmem:s11], [sflag:$0x5] =	stream.indirect_vreg.gather @!p2 [hbm4b:s6+s0], $0x80, v3, vm1, $0xb8;
	[tilespmem:$0x1EC80] =	vst v63  }
0x10b: {  	s11 =	simm.s32 @!p1 $0x4  }
0x10c: {  	_ =	swait.ge @!p1 [sflag:s11], $0x5000  }
0x10d: {  	s12 =	sadd.s32 @!p1 s30, s8;
	[sflag:s11] =	ssyncset.done @!p1 $0x0  }
0x10e: {  	[sflag:s11] =	ssyncadd.s32 @!p1 $0xFFFFB000;
	s11 =	sadd.s32 @!p1 $0x1E00, s12  }
0x10f: {  	[hbm4b:s11+s1] =	stream.linear.scatter @!p1 [tilespmem:s31], [sflag:$0xA], $0x5000, $0x38;
	[tilespmem:$0x1EC80] =	vst v63  }
0x110: {  	s1 =	sadd.s32 $0xFFFFFFFF, s28  }
0x111: {  	p1 =	sge.u32 @!p0 s1, s4  }
0x112: {  	p0 =	por p1, p0  }
0x113: {  	s11 =	simm.s32 @!p0 $0xC  }
0x114: {  	_ =	swait.ge @!p0 [sflag:s11], $0x5000  }
0x115: {  	[sflag:s11] =	ssyncset.done @!p0 $0x0  }
0x116: {  	[sflag:s11] =	ssyncadd.s32 @!p0 $0xFFFFB000;
	p0 =	sge.u32 s1, s4  }
0x117: {  	v3 =	vld @!p0 [tilespmem:s29+$0x40];
	_ =	sdelay $0x4  }
0x118: {  	v4 =	vshll.u32 @!p0 v3, $0x2  }
0x119: {  	v5 =	vlaneseq.u32 @!p0;
	v3 =	vand.u32 @!p0 $0x7, v3;
	v4 =	vand.u32 @!p0 $0xFFFFFFE0, v4  }
0x11a: {  	v6 =	vshrl.u32 @!p0 v5, $0x3;
	v3 =	vor.u32 @!p0 v3, v4;
	v4 =	vand.u32 @!p0 $0x7, v5  }
0x11b: {  	v6 =	vmul.u32 @!p0 $0x8, v6;
	v7 =	vperm.xlane @!p0 v3, v4;
	_ =	sdelay $0x1  }
0x11c: {  	v7 =	vadd.s32 @!p0 v6, v7  }
0x11d: {  	v5 =	vor.u32 @!p0 $0x8, v5  }
0x11e: {  	v3 =	vperm.xlane @!p0 v3, v5;
	_ =	sdelay $0x1  }
0x11f: {  	vm1 =	vmmov @!p0 $0xffff;
	s1 =	simm.s32 @!p0 $0x0;
	s31 =	simm.s32 @!p0 $0x19C80;
	v3 =	vadd.s32 @!p0 v6, v3  }
0x120: {  	[tilespmem:s31], [sflag:$0x6] =	stream.indirect_vreg.gather @!p0 [hbm4b:s2+s1], $0x80, v7, vm1, $0xb8;
	[tilespmem:$0x1EC80] =	vst v63  }
0x121: {  	s11 =	simm.s32 @!p0 $0x1A480  }
0x122: {  	[tilespmem:s11], [sflag:$0x6] =	stream.indirect_vreg.gather @!p0 [hbm4b:s6+s1], $0x80, v7, vm1, $0xb8;
	[tilespmem:$0x1EC80] =	vst v63  }
0x123: {  	s11 =	simm.s32 @!p0 $0x1AC80  }
0x124: {  	[tilespmem:s11], [sflag:$0x6] =	stream.indirect_vreg.gather @!p0 [hbm4b:s2+s1], $0x80, v3, vm1, $0xb8;
	[tilespmem:$0x1EC80] =	vst v63  }
0x125: {  	s11 =	simm.s32 @!p0 $0x1B480  }
0x126: {  	[tilespmem:s11], [sflag:$0x6] =	stream.indirect_vreg.gather @!p0 [hbm4b:s6+s1], $0x80, v3, vm1, $0xb8;
	[tilespmem:$0x1EC80] =	vst v63  }
0x127: {  	v3 =	vld @!p0 [tilespmem:s29+$0x50];
	_ =	sdelay $0x4  }
0x128: {  	v7 =	vshll.u32 @!p0 v3, $0x2  }
0x129: {  	v3 =	vand.u32 @!p0 $0x7, v3;
	v7 =	vand.u32 @!p0 $0xFFFFFFE0, v7  }
0x12a: {  	v3 =	vor.u32 @!p0 v3, v7  }
0x12b: {  	v7 =	vperm.xlane @!p0 v3, v4;
	_ =	sdelay $0x1  }
0x12c: {  	v7 =	vadd.s32 @!p0 v6, v7;
	_ =	sdelay $0x1  }
0x12d: {  	v3 =	vperm.xlane @!p0 v3, v5;
	_ =	sdelay $0x1  }
0x12e: {  	s11 =	simm.s32 @!p0 $0x1BC80;
	v3 =	vadd.s32 @!p0 v6, v3  }
0x12f: {  	[tilespmem:s11], [sflag:$0x6] =	stream.indirect_vreg.gather @!p0 [hbm4b:s2+s1], $0x80, v7, vm1, $0xb8;
	[tilespmem:$0x1EC80] =	vst v63  }
0x130: {  	s11 =	simm.s32 @!p0 $0x1C480  }
0x131: {  	[tilespmem:s11], [sflag:$0x6] =	stream.indirect_vreg.gather @!p0 [hbm4b:s6+s1], $0x80, v7, vm1, $0xb8;
	[tilespmem:$0x1EC80] =	vst v63  }
0x132: {  	s11 =	simm.s32 @!p0 $0x1CC80  }
0x133: {  	[tilespmem:s11], [sflag:$0x6] =	stream.indirect_vreg.gather @!p0 [hbm4b:s2+s1], $0x80, v3, vm1, $0xb8;
	[tilespmem:$0x1EC80] =	vst v63  }
0x134: {  	s11 =	simm.s32 @!p0 $0x1D480  }
0x135: {  	[tilespmem:s11], [sflag:$0x6] =	stream.indirect_vreg.gather @!p0 [hbm4b:s6+s1], $0x80, v3, vm1, $0xb8;
	[tilespmem:$0x1EC80] =	vst v63  }
0x136: {  	v3 =	vld.msk @!p0 [tilespmem:s29+$0x60], $0xff;
	_ =	sdelay $0x4  }
0x137: {  	v5 =	vshll.u32 @!p0 v3, $0x2  }
0x138: {  	v3 =	vand.u32 @!p0 $0x7, v3;
	v5 =	vand.u32 @!p0 $0xFFFFFFE0, v5  }
0x139: {  	v3 =	vor.u32 @!p0 v3, v5  }
0x13a: {  	v3 =	vperm.xlane @!p0 v3, v4;
	_ =	sdelay $0x1  }
0x13b: {  	v3 =	vadd.s32 @!p0 v6, v3;
	_ =	sdelay $0x3  }
0x13c: {  	s11 =	simm.s32 @!p0 $0x1DC80  }
0x13d: {  	[tilespmem:s11], [sflag:$0x6] =	stream.indirect_vreg.gather @!p0 [hbm4b:s2+s1], $0x80, v3, vm1, $0xb8;
	[tilespmem:$0x1EC80] =	vst v63  }
0x13e: {  	s11 =	simm.s32 @!p0 $0x1E480  }
0x13f: {  	[tilespmem:s11], [sflag:$0x6] =	stream.indirect_vreg.gather @!p0 [hbm4b:s6+s1], $0x80, v3, vm1, $0xb8;
	[tilespmem:$0x1EC80] =	vst v63  }
0x140: {  	s11 =	simm.s32 @!p2 $0x5  }
0x141: {  	_ =	swait.ge @!p2 [sflag:s11], $0x5000  }
0x142: {  	s12 =	sadd.s32 @!p2 s30, s8;
	[sflag:s11] =	ssyncset.done @!p2 $0x0  }
0x143: {  	p1 =	sge.u32 s28, s4;
	[sflag:s11] =	ssyncadd.s32 @!p2 $0xFFFFB000;
	s11 =	sadd.s32 @!p2 $0x2800, s12  }
0x144: {  	[hbm4b:s11+s0] =	stream.linear.scatter @!p2 [tilespmem:s10], [sflag:$0xB], $0x5000, $0x38;
	[tilespmem:$0x1EC80] =	vst v63  }
0x145: {  	s0 =	simm.s32 @!p1 $0x7  }
0x146: {  	_ =	swait.ge @!p1 [sflag:s0], $0x5000  }
0x147: {  	[sflag:s0] =	ssyncset.done @!p1 $0x0  }
0x148: {  	[sflag:s0] =	ssyncadd.s32 @!p1 $0xFFFFB000  }
0x149: {  	v3 =	vld @!p1 [tilespmem:s29+$0x68];
	_ =	sdelay $0x4  }
0x14a: {  	v4 =	vshll.u32 @!p1 v3, $0x2  }
0x14b: {  	v5 =	vlaneseq.u32 @!p1;
	v3 =	vand.u32 @!p1 $0x7, v3;
	v4 =	vand.u32 @!p1 $0xFFFFFFE0, v4  }
0x14c: {  	v6 =	vshrl.u32 @!p1 v5, $0x3;
	v3 =	vor.u32 @!p1 v3, v4;
	v4 =	vand.u32 @!p1 $0x7, v5  }
0x14d: {  	v6 =	vmul.u32 @!p1 $0x8, v6;
	v7 =	vperm.xlane @!p1 v3, v4;
	_ =	sdelay $0x1  }
0x14e: {  	v7 =	vadd.s32 @!p1 v6, v7  }
0x14f: {  	v5 =	vor.u32 @!p1 $0x8, v5  }
0x150: {  	v3 =	vperm.xlane @!p1 v3, v5;
	_ =	sdelay $0x1  }
0x151: {  	vm1 =	vmmov @!p1 $0xffff;
	s10 =	simm.s32 @!p1 $0xC80;
	s0 =	simm.s32 @!p1 $0x0;
	v3 =	vadd.s32 @!p1 v6, v3  }
0x152: {  	[tilespmem:s10], [sflag:$0x1] =	stream.indirect_vreg.gather @!p1 [hbm4b:s2+s0], $0x80, v7, vm1, $0xb8;
	[tilespmem:$0x1EC80] =	vst v63  }
0x153: {  	s10 =	simm.s32 @!p1 $0x1480  }
0x154: {  	[tilespmem:s10], [sflag:$0x1] =	stream.indirect_vreg.gather @!p1 [hbm4b:s6+s0], $0x80, v7, vm1, $0xb8;
	[tilespmem:$0x1EC80] =	vst v63  }
0x155: {  	s10 =	simm.s32 @!p1 $0x1C80  }
0x156: {  	[tilespmem:s10], [sflag:$0x1] =	stream.indirect_vreg.gather @!p1 [hbm4b:s2+s0], $0x80, v3, vm1, $0xb8;
	[tilespmem:$0x1EC80] =	vst v63  }
0x157: {  	s10 =	simm.s32 @!p1 $0x2480  }
0x158: {  	[tilespmem:s10], [sflag:$0x1] =	stream.indirect_vreg.gather @!p1 [hbm4b:s6+s0], $0x80, v3, vm1, $0xb8;
	[tilespmem:$0x1EC80] =	vst v63  }
0x159: {  	v3 =	vld @!p1 [tilespmem:s29+$0x78];
	_ =	sdelay $0x4  }
0x15a: {  	v7 =	vshll.u32 @!p1 v3, $0x2  }
0x15b: {  	v3 =	vand.u32 @!p1 $0x7, v3;
	v7 =	vand.u32 @!p1 $0xFFFFFFE0, v7  }
0x15c: {  	v3 =	vor.u32 @!p1 v3, v7  }
0x15d: {  	v7 =	vperm.xlane @!p1 v3, v4;
	_ =	sdelay $0x1  }
0x15e: {  	v7 =	vadd.s32 @!p1 v6, v7;
	_ =	sdelay $0x1  }
0x15f: {  	v3 =	vperm.xlane @!p1 v3, v5;
	_ =	sdelay $0x1  }
0x160: {  	s10 =	simm.s32 @!p1 $0x2C80;
	v3 =	vadd.s32 @!p1 v6, v3  }
0x161: {  	[tilespmem:s10], [sflag:$0x1] =	stream.indirect_vreg.gather @!p1 [hbm4b:s2+s0], $0x80, v7, vm1, $0xb8;
	[tilespmem:$0x1EC80] =	vst v63  }
0x162: {  	s10 =	simm.s32 @!p1 $0x3480  }
0x163: {  	[tilespmem:s10], [sflag:$0x1] =	stream.indirect_vreg.gather @!p1 [hbm4b:s6+s0], $0x80, v7, vm1, $0xb8;
	[tilespmem:$0x1EC80] =	vst v63  }
0x164: {  	s10 =	simm.s32 @!p1 $0x3C80  }
0x165: {  	[tilespmem:s10], [sflag:$0x1] =	stream.indirect_vreg.gather @!p1 [hbm4b:s2+s0], $0x80, v3, vm1, $0xb8;
	[tilespmem:$0x1EC80] =	vst v63  }
0x166: {  	s10 =	simm.s32 @!p1 $0x4480  }
0x167: {  	[tilespmem:s10], [sflag:$0x1] =	stream.indirect_vreg.gather @!p1 [hbm4b:s6+s0], $0x80, v3, vm1, $0xb8;
	[tilespmem:$0x1EC80] =	vst v63  }
0x168: {  	v3 =	vld.msk @!p1 [tilespmem:s29+$0x88], $0xff;
	_ =	sdelay $0x4  }
0x169: {  	v5 =	vshll.u32 @!p1 v3, $0x2  }
0x16a: {  	v3 =	vand.u32 @!p1 $0x7, v3;
	v5 =	vand.u32 @!p1 $0xFFFFFFE0, v5  }
0x16b: {  	v3 =	vor.u32 @!p1 v3, v5  }
0x16c: {  	v3 =	vperm.xlane @!p1 v3, v4;
	_ =	sdelay $0x1  }
0x16d: {  	v3 =	vadd.s32 @!p1 v6, v3;
	_ =	sdelay $0x3  }
0x16e: {  	s10 =	simm.s32 @!p1 $0x4C80  }
0x16f: {  	[tilespmem:s10], [sflag:$0x1] =	stream.indirect_vreg.gather @!p1 [hbm4b:s2+s0], $0x80, v3, vm1, $0xb8;
	[tilespmem:$0x1EC80] =	vst v63  }
0x170: {  	s10 =	simm.s32 @!p1 $0x5480  }
0x171: {  	[tilespmem:s10], [sflag:$0x1] =	stream.indirect_vreg.gather @!p1 [hbm4b:s6+s0], $0x80, v3, vm1, $0xb8;
	[tilespmem:$0x1EC80] =	vst v63  }
0x172: {  	s0 =	simm.s32 @!p0 $0x6  }
0x173: {  	_ =	swait.ge @!p0 [sflag:s0], $0x5000  }
0x174: {  	s10 =	sadd.s32 @!p0 s30, s8;
	[sflag:s0] =	ssyncset.done @!p0 $0x0  }
0x175: {  	s28 =	sadd.s32 $0x6, s28;
	[sflag:s0] =	ssyncadd.s32 @!p0 $0xFFFFB000;
	s0 =	sadd.s32 @!p0 $0x3200, s10  }
0x176: {  	[hbm4b:s0+s1] =	stream.linear.scatter @!p0 [tilespmem:s31], [sflag:$0xC], $0x5000, $0x38;
	[tilespmem:$0x1EC80] =	vst v63  }
0x177: {  	p0 =	sne.s32 s28, $0x5A  }
.Ltmp0:
0x178: {  	_ = 	snop;
	(pc) =	sbr.rel @p0 .LBB2_2-.Ltmp0, $2  }
0x179: {  	_ =	sdelay $0x2  }
0x17a: {  	s29 =	sadd.s32 $0xF0, s29;
	s30 =	sadd.s32 $0x3C00, s30  }
0x17b: {  	_ =	swait.ge [sflag:s20], $0x5000  }
0x17c: {  	[sflag:s20] =	ssyncset.done $0x0  }
0x17d: {  	[sflag:s20] =	ssyncadd.s32 $0xFFFFB000  }
0x17e: {  	_ =	swait.ge [sflag:s21], $0x5000  }
0x17f: {  	[sflag:s21] =	ssyncset.done $0x0  }
0x180: {  	[sflag:s21] =	ssyncadd.s32 $0xFFFFB000  }
0x181: {  	_ =	swait.ge [sflag:s22], $0x5000  }
0x182: {  	[sflag:s22] =	ssyncset.done $0x0  }
0x183: {  	[sflag:s22] =	ssyncadd.s32 $0xFFFFB000  }
0x184: {  	_ =	swait.ge [sflag:s23], $0x5000  }
0x185: {  	[sflag:s23] =	ssyncset.done $0x0  }
0x186: {  	s26 =	sadd.s32 $0x1, s26;
	[sflag:s23] =	ssyncadd.s32 $0xFFFFB000  }
0x187: {  	p0 =	sne.s32 s26, s7;
	_ =	swait.ge [sflag:s24], $0x5000  }
.Ltmp1:
0x188: {  	[sflag:s24] =	ssyncset.done $0x0;
	(pc) =	sbr.rel @p0 .LBB2_1-.Ltmp1, $4  }
0x189: {  	[sflag:s24] =	ssyncadd.s32 $0xFFFFB000  }
0x18a: {  	_ =	swait.ge [sflag:s25], $0x5000  }
0x18b: {  	[sflag:s25] =	ssyncset.done $0x0  }
0x18c: {  	[sflag:s25] =	ssyncadd.s32 $0xFFFFB000  }
0x18d: {  	_ =	sfence.sel $0x180000  }
0x18e: {  	[bflag:$0x0] =	sbarrier.arrive $0xFFFF  }
0x18f: {  	_ =	strace $0x90000047  }
0x190: {  	s0 =	stileid.u32;
	[bflag:$0x2] =	sbarrier.arrive $0xFFFF  }
0x191: {  	p0 =	sne.s32 s0, $0x0;
	s0 =	rddreg [dreg:$0x3]  }
0x192: {  	s0 =	sadd.s32 @!p0 $0x100000, s0  }
0x193: {  	[sflag:s0] =	ssyncadd.tile.s32 @!p0 $0x1;
	_ =	shalt  }
.Lfunc_end2:
_tile_overlayer_lowered:
.L_overlay_start_2:
0x194: {  	(tag) =	ssettag $0x2  }
0x195: {  	s0 =	rddreg [dreg:$0x0];
	s2 =	stileid.u32  }
0x196: {  	s1 =	rddreg [dreg:$0x1];
	p0 =	sne.s32 s2, $0x0  }
0x197: {  	s3 =	rddreg [dreg:$0x2];
	[bflag:$0x3] =	sbarrier.arrive $0xFFFF;
	s2 =	simm.s32 @!p0 $0x1C0D  }
0x198: {  	[timem:s3], [sflag:s2] =	dma.local @!p0 [hbm:s0], s1  }
0x199: {  	s0 =	simm.s32 @!p0 $0xD  }
0x19a: {  	_ =	swait.ge @!p0 [sflag:s0], s1  }
0x19b: {  	s1 =	ssub.s32 @!p0 $0x0, s1;
	[sflag:s0] =	ssyncset.done @!p0 $0x0  }
0x19c: {  	[sflag:s0] =	ssyncadd.s32 @!p0 s1  }
0x19d: {  	[bflag:$0x3] =	sbarrier.arrive $0xFFFF  }
0x19e: {  	_ =	shalt  }

</sc_bundles>
